<compile_context>
chip_gen: v7x
topology: tpu7x:2x2x1
jax: 0.10.2.dev20260603
libtpu: 0.0.44.dev20260713+nightly
codegen_flags: <defaults>
</compile_context>

<pallas_src>
import functools

import jax
import jax.numpy as jnp
from jax import lax
from jax.experimental import pallas as pl
from jax.experimental.pallas import tpu as pltpu
from jax.experimental.pallas import tpu_sc as plsc

PAD = 50256
B, T = 4096, 200
D = 64
NC, NS = 2, 16
NW = NC * NS
SEQ_PER_W = B // NW
CHUNK = 10
LANES = 128
IDROWS = B * T // LANES


def _sc_embed_sum(ids2, table):
  mesh = plsc.VectorSubcoreMesh(
      core_axis_name="c", subcore_axis_name="s", num_cores=NC, num_subcores=NS
  )
  ROWS_PER_W = IDROWS // NW

  @functools.partial(
      pl.kernel,
      out_type=jax.ShapeDtypeStruct((B, D), jnp.float32),
      mesh=mesh,
      scratch_types=[
          pltpu.VMEM((ROWS_PER_W, LANES), jnp.int32),
          pltpu.VMEM((T, SEQ_PER_W), jnp.int32),
          pltpu.VMEM((SEQ_PER_W, D), jnp.float32),
          pltpu.SemaphoreType.DMA,
      ],
      compiler_params=pltpu.CompilerParams(
          use_tc_tiling_on_sc=False, needs_layout_passes=False
      ),
  )
  def k(ids_hbm, table_hbm, out_hbm, raw_v, idsT_v, acc_v, sem):
    wid = lax.axis_index("s") * NC + lax.axis_index("c")
    pltpu.sync_copy(ids_hbm.at[pl.ds(wid * ROWS_PER_W, ROWS_PER_W)], raw_v)

    iota200 = lax.iota(jnp.int32, 16) * T
    NR = T // CHUNK

    def tcols(r):
      def tcol(t, c):
        for g in range(SEQ_PER_W // 16):
          flat = iota200 + (g * 16 * T + t)
          vals = plsc.load_gather(
              raw_v,
              [lax.shift_right_logical(flat, 7), lax.bitwise_and(flat, 127)],
          )
          idsT_v[t, pl.ds(g * 16, 16)] = vals
        return c

      lax.fori_loop(r * CHUNK, (r + 1) * CHUNK, tcol, 0)

    def fire(r):
      copies = []
      for j in range(CHUNK):
        copies.append(
            pltpu.async_copy(
                table_hbm.at[idsT_v.at[r * CHUNK + j]], acc_v, sem, add=True
            )
        )
      return copies

    def drain(copies):
      for cp in copies:
        cp.wait()

    tcols(0)

    zero = jnp.zeros((16,), jnp.float32)

    def zrow(i, c):
      for j in range(D // 16):
        acc_v[i, pl.ds(j * 16, 16)] = zero
      return c

    lax.fori_loop(0, SEQ_PER_W, zrow, 0)

    fire(0)

    def round_(r, c):
      tcols(r)
      drain(fire(r))
      return c

    lax.fori_loop(1, NR, round_, 0)
    for _ in range(CHUNK):
      pltpu.make_async_copy(table_hbm.at[idsT_v.at[0]], acc_v, sem).wait()
    pltpu.sync_copy(acc_v, out_hbm.at[pl.ds(wid * SEQ_PER_W, SEQ_PER_W)])

  return k(ids2, table)


def _gelu(x):
  return 0.5 * x * (1.0 + lax.erf(x / jnp.sqrt(2.0).astype(x.dtype)))


def _tc_mlp(summed, ids, W_proj, b_proj, W1, b1, W2, b2, W3t, b3):
  BLK = 512

  def body(sum_ref, ids_ref, wp, bp, w1, b1_, w2, b2_, w3t, b3_, out_ref):
    idsb = ids_ref[...]
    cnt = jnp.sum((idsb != PAD).astype(jnp.float32), axis=1, keepdims=True)
    pooled = sum_ref[...] / jnp.maximum(cnt, 1.0)
    x = jnp.dot(pooled, wp[...], preferred_element_type=jnp.float32) + bp[...]
    h = _gelu(jnp.dot(x, w1[...], preferred_element_type=jnp.float32) + b1_[...])
    h = _gelu(jnp.dot(h, w2[...], preferred_element_type=jnp.float32) + b2_[...])
    out_ref[...] = jnp.sum(h * w3t[...], axis=1, keepdims=True) + b3_[...]

  full = lambda shape: pl.BlockSpec(shape, lambda i: (0, 0))
  return pl.pallas_call(
      body,
      grid=(B // BLK,),
      in_specs=[
          pl.BlockSpec((BLK, D), lambda i: (i, 0)),
          pl.BlockSpec((BLK, T), lambda i: (i, 0)),
          full(W_proj.shape), full(b_proj.shape),
          full(W1.shape), full(b1.shape),
          full(W2.shape), full(b2.shape),
          full(W3t.shape), full(b3.shape),
      ],
      out_specs=pl.BlockSpec((BLK, 1), lambda i: (i, 0)),
      out_shape=jax.ShapeDtypeStruct((B, 1), jnp.float32),
  )(summed, ids, W_proj, b_proj, W1, b1, W2, b2, W3t, b3)


@jax.jit
def kernel(input_ids, table, W_proj, b_proj, W1, b1, W2, b2, W3, b3):
  ids = input_ids.astype(jnp.int32)
  summed = _sc_embed_sum(ids.reshape(IDROWS, LANES), table)
  out = _tc_mlp(
      summed, ids,
      W_proj, b_proj.reshape(1, -1),
      W1, b1.reshape(1, -1),
      W2, b2.reshape(1, -1),
      jnp.transpose(W3), b3.reshape(1, -1),
  )
  return out

# --- scband reference (transcript-rebuilt; emitter-appended) ---
"""Pipeline reference for scband-text-embedding-bag-mlp-17858474017137 (READ-ONLY COPY).

The authoritative reference and input builder live on the scoring server;
editing this copy changes nothing except your own understanding.
"""

import jax, jax.numpy as jnp
import numpy as np

PAD = 50256
VOCAB = 100000
EMBED = 64
H1 = 256
H2 = 128
NOUT = 1

def gelu(x):
    return 0.5 * x * (1.0 + jax.lax.erf(x / jnp.sqrt(2.0).astype(x.dtype)))

def setup_inputs(seed: int = 0) -> dict:
    key = jax.random.key(seed)
    ks = jax.random.split(key, 10)
    input_ids = jax.random.randint(ks[0], (4096, 200), 0, VOCAB, dtype=jnp.int64)
    table = jax.random.normal(ks[1], (VOCAB, EMBED), dtype=jnp.float32) * 0.02
    table = table.at[PAD].set(0.0)
    W_proj = jax.random.normal(ks[2], (EMBED, EMBED), dtype=jnp.float32) * (1.0 / np.sqrt(EMBED))
    b_proj = jnp.zeros((EMBED,), dtype=jnp.float32)
    W1 = jax.random.normal(ks[3], (EMBED, H1), dtype=jnp.float32) * (1.0 / np.sqrt(EMBED))
    b1 = jnp.zeros((H1,), dtype=jnp.float32)
    W2 = jax.random.normal(ks[4], (H1, H2), dtype=jnp.float32) * (1.0 / np.sqrt(H1))
    b2 = jnp.zeros((H2,), dtype=jnp.float32)
    W3 = jax.random.normal(ks[5], (H2, NOUT), dtype=jnp.float32) * (1.0 / np.sqrt(H2))
    b3 = jnp.zeros((NOUT,), dtype=jnp.float32)
    return {"input_ids": input_ids, "table": table, "W_proj": W_proj, "b_proj": b_proj,
            "W1": W1, "b1": b1, "W2": W2, "b2": b2, "W3": W3, "b3": b3}

def reference(input_ids, table, W_proj, b_proj, W1, b1, W2, b2, W3, b3):
    mask = (input_ids != PAD).astype(jnp.float32)
    emb = jnp.take(table, input_ids, axis=0)
    summed = (emb * mask[..., None]).sum(axis=1)
    denom = jnp.clip(mask.sum(axis=1), 1.0, None)[:, None]
    pooled = summed / denom
    pooled = pooled @ W_proj + b_proj
    h = gelu(pooled @ W1 + b1)
    h = gelu(h @ W2 + b2)
    out = h @ W3 + b3
    return out

if __name__ == "__main__":
    import jax
    _d = setup_inputs()
    print(jax.jit(kernel)(*tuple(_d.values())))

</pallas_src>

<mosaic_0001>
#map = affine_map<(d0, d1) -> (0, 0)>
module attributes {stable_mosaic.version = 14 : i64} {
  func.func @k(%arg0: i32, %arg1: i32, %arg2: memref<6400x128xi32, #tpu.memory_space<hbm>>, %arg3: memref<100000x64xf32, #tpu.memory_space<hbm>>, %arg4: memref<4096x64xf32, #tpu.memory_space<hbm>>, %arg5: memref<200x128xi32, #tpu.memory_space<vmem>>, %arg6: memref<200x128xi32, #tpu.memory_space<vmem>>, %arg7: memref<128x64xf32, #tpu.memory_space<vmem>>, %arg8: memref<!tpu.dma_semaphore, #tpu.memory_space<semaphore_mem>>) attributes {dimension_semantics = [#tpu.dimension_semantics<core_parallel>, #tpu.dimension_semantics<subcore_parallel>], iteration_bounds = array<i64: 2, 16>, scalar_prefetch = 0 : i64, scratch_operands = 4 : i64, tpu.core_type = #tpu.core_type<sc_vector_subcore>, window_params = [{transform_indices = #map}, {transform_indices = #map}, {transform_indices = #map}]} {
    %mul3A = arith.constant 2 : i32
    %mul3A_0 = arith.muli %arg1, %mul3A : i32
    %add3A = arith.addi %mul3A_0, %arg0 : i32
    %mul3A_1 = arith.constant 200 : i32
    %mul3A_2 = arith.muli %add3A, %mul3A_1 : i32
    "tpu.region"() ({
      %run_scoped3A = tpu.sem_alloc : memref<!tpu.dma_semaphore, #tpu.memory_space<semaphore_mem>>
      %dma_start3A_164 = arith.constant 0 : i32
      %dma_start3A_165 = tpu.memref_slice %arg2[%mul3A_2, %dma_start3A_164] : memref<6400x128xi32, #tpu.memory_space<hbm>> -> memref<200x128xi32, #tpu.memory_space<hbm>>
      %dma_start3A_166 = arith.constant 0 : i32
      %dma_start3A_167 = tpu.memref_slice %arg2[%mul3A_2, %dma_start3A_166] : memref<6400x128xi32, #tpu.memory_space<hbm>> -> memref<200x128xi32, #tpu.memory_space<hbm>>
      tpu.enqueue_dma source(%dma_start3A_167 : memref<200x128xi32, #tpu.memory_space<hbm>>) target(%arg5 : memref<200x128xi32, #tpu.memory_space<vmem>>) target_semaphore(%run_scoped3A : memref<!tpu.dma_semaphore, #tpu.memory_space<semaphore_mem>>)
      %dma_wait3A_168 = arith.constant 0 : i32
      %dma_wait3A_169 = tpu.memref_slice %arg2[%mul3A_2, %dma_wait3A_168] : memref<6400x128xi32, #tpu.memory_space<hbm>> -> memref<200x128xi32, #tpu.memory_space<hbm>>
      %dma_wait3A_170 = arith.constant 0 : i32
      %dma_wait3A_171 = tpu.memref_slice %arg2[%mul3A_2, %dma_wait3A_170] : memref<6400x128xi32, #tpu.memory_space<hbm>> -> memref<200x128xi32, #tpu.memory_space<hbm>>
      tpu.wait_dma2 semaphore(%run_scoped3A : memref<!tpu.dma_semaphore, #tpu.memory_space<semaphore_mem>>) src(%dma_wait3A_171 : memref<200x128xi32, #tpu.memory_space<hbm>>) dst(%arg5 : memref<200x128xi32, #tpu.memory_space<vmem>>)
      tpu.yield
    }) : () -> ()
    %iota3A = tpu.iota {dimensions = array<i32: 0>} : vector<16xi32>
    %mul3A_3 = arith.constant 200 : i32
    %mul3A_4 = vector.broadcast %mul3A_3 : i32 to vector<16xi32>
    %mul3A_5 = arith.muli %iota3A, %mul3A_4 : vector<16xi32>
    %scan3A = arith.constant 0 : i32
    %scan3A_6 = arith.constant 0 : i32
    %scan3A_7 = arith.constant 10 : i32
    %scan3A_8 = arith.addi %scan3A_6, %scan3A_7 : i32
    %scan3A_9 = arith.constant 1 : i32
    scf.for %scan3A_164 = %scan3A_6 to %scan3A_8 step %scan3A_9  : i32 {
      %add3A_165 = arith.constant 0 : i32
      %add3A_166 = arith.addi %add3A_165, %scan3A_164 : i32
      %add3A_167 = vector.broadcast %add3A_166 : i32 to vector<16xi32>
      %add3A_168 = arith.addi %mul3A_5, %add3A_167 : vector<16xi32>
      %shift_right_logical3A = arith.constant 7 : i32
      %shift_right_logical3A_169 = vector.broadcast %shift_right_logical3A : i32 to vector<16xi32>
      %shift_right_logical3A_170 = arith.shrui %add3A_168, %shift_right_logical3A_169 : vector<16xi32>
      %and3A = arith.constant 127 : i32
      %and3A_171 = vector.broadcast %and3A : i32 to vector<16xi32>
      %and3A_172 = arith.andi %add3A_168, %and3A_171 : vector<16xi32>
      %gather3A = tpu.vector_load_idx %arg5[%shift_right_logical3A_170, %and3A_172] : memref<200x128xi32, #tpu.memory_space<vmem>>[vector<16xi32>, vector<16xi32>], vector<16xi32>,
      %swap3A = arith.index_cast %scan3A_164 : i32 to index
      %swap3A_173 = arith.constant 0 : index
      %swap3A_174 = tpu.vector_load %arg6[%swap3A, %swap3A_173] {strides = array<i32>} : memref<200x128xi32, #tpu.memory_space<vmem>>, vector<16xi32>,
      tpu.vector_store %arg6[%swap3A, %swap3A_173], %gather3A {strides = array<i32>} : memref<200x128xi32, #tpu.memory_space<vmem>>, vector<16xi32>,
      %add3A_175 = arith.constant 3200 : i32
      %add3A_176 = arith.addi %add3A_175, %scan3A_164 : i32
      %add3A_177 = vector.broadcast %add3A_176 : i32 to vector<16xi32>
      %add3A_178 = arith.addi %mul3A_5, %add3A_177 : vector<16xi32>
      %shift_right_logical3A_179 = arith.constant 7 : i32
      %shift_right_logical3A_180 = vector.broadcast %shift_right_logical3A_179 : i32 to vector<16xi32>
      %shift_right_logical3A_181 = arith.shrui %add3A_178, %shift_right_logical3A_180 : vector<16xi32>
      %and3A_182 = arith.constant 127 : i32
      %and3A_183 = vector.broadcast %and3A_182 : i32 to vector<16xi32>
      %and3A_184 = arith.andi %add3A_178, %and3A_183 : vector<16xi32>
      %gather3A_185 = tpu.vector_load_idx %arg5[%shift_right_logical3A_181, %and3A_184] : memref<200x128xi32, #tpu.memory_space<vmem>>[vector<16xi32>, vector<16xi32>], vector<16xi32>,
      %swap3A_186 = arith.index_cast %scan3A_164 : i32 to index
      %swap3A_187 = arith.constant 16 : index
      %swap3A_188 = tpu.vector_load %arg6[%swap3A_186, %swap3A_187] {strides = array<i32>} : memref<200x128xi32, #tpu.memory_space<vmem>>, vector<16xi32>,
      tpu.vector_store %arg6[%swap3A_186, %swap3A_187], %gather3A_185 {strides = array<i32>} : memref<200x128xi32, #tpu.memory_space<vmem>>, vector<16xi32>,
      %add3A_189 = arith.constant 6400 : i32
      %add3A_190 = arith.addi %add3A_189, %scan3A_164 : i32
      %add3A_191 = vector.broadcast %add3A_190 : i32 to vector<16xi32>
      %add3A_192 = arith.addi %mul3A_5, %add3A_191 : vector<16xi32>
      %shift_right_logical3A_193 = arith.constant 7 : i32
      %shift_right_logical3A_194 = vector.broadcast %shift_right_logical3A_193 : i32 to vector<16xi32>
      %shift_right_logical3A_195 = arith.shrui %add3A_192, %shift_right_logical3A_194 : vector<16xi32>
      %and3A_196 = arith.constant 127 : i32
      %and3A_197 = vector.broadcast %and3A_196 : i32 to vector<16xi32>
      %and3A_198 = arith.andi %add3A_192, %and3A_197 : vector<16xi32>
      %gather3A_199 = tpu.vector_load_idx %arg5[%shift_right_logical3A_195, %and3A_198] : memref<200x128xi32, #tpu.memory_space<vmem>>[vector<16xi32>, vector<16xi32>], vector<16xi32>,
      %swap3A_200 = arith.index_cast %scan3A_164 : i32 to index
      %swap3A_201 = arith.constant 32 : index
      %swap3A_202 = tpu.vector_load %arg6[%swap3A_200, %swap3A_201] {strides = array<i32>} : memref<200x128xi32, #tpu.memory_space<vmem>>, vector<16xi32>,
      tpu.vector_store %arg6[%swap3A_200, %swap3A_201], %gather3A_199 {strides = array<i32>} : memref<200x128xi32, #tpu.memory_space<vmem>>, vector<16xi32>,
      %add3A_203 = arith.constant 9600 : i32
      %add3A_204 = arith.addi %add3A_203, %scan3A_164 : i32
      %add3A_205 = vector.broadcast %add3A_204 : i32 to vector<16xi32>
      %add3A_206 = arith.addi %mul3A_5, %add3A_205 : vector<16xi32>
      %shift_right_logical3A_207 = arith.constant 7 : i32
      %shift_right_logical3A_208 = vector.broadcast %shift_right_logical3A_207 : i32 to vector<16xi32>
      %shift_right_logical3A_209 = arith.shrui %add3A_206, %shift_right_logical3A_208 : vector<16xi32>
      %and3A_210 = arith.constant 127 : i32
      %and3A_211 = vector.broadcast %and3A_210 : i32 to vector<16xi32>
      %and3A_212 = arith.andi %add3A_206, %and3A_211 : vector<16xi32>
      %gather3A_213 = tpu.vector_load_idx %arg5[%shift_right_logical3A_209, %and3A_212] : memref<200x128xi32, #tpu.memory_space<vmem>>[vector<16xi32>, vector<16xi32>], vector<16xi32>,
      %swap3A_214 = arith.index_cast %scan3A_164 : i32 to index
      %swap3A_215 = arith.constant 48 : index
      %swap3A_216 = tpu.vector_load %arg6[%swap3A_214, %swap3A_215] {strides = array<i32>} : memref<200x128xi32, #tpu.memory_space<vmem>>, vector<16xi32>,
      tpu.vector_store %arg6[%swap3A_214, %swap3A_215], %gather3A_213 {strides = array<i32>} : memref<200x128xi32, #tpu.memory_space<vmem>>, vector<16xi32>,
      %add3A_217 = arith.constant 12800 : i32
      %add3A_218 = arith.addi %add3A_217, %scan3A_164 : i32
      %add3A_219 = vector.broadcast %add3A_218 : i32 to vector<16xi32>
      %add3A_220 = arith.addi %mul3A_5, %add3A_219 : vector<16xi32>
      %shift_right_logical3A_221 = arith.constant 7 : i32
      %shift_right_logical3A_222 = vector.broadcast %shift_right_logical3A_221 : i32 to vector<16xi32>
      %shift_right_logical3A_223 = arith.shrui %add3A_220, %shift_right_logical3A_222 : vector<16xi32>
      %and3A_224 = arith.constant 127 : i32
      %and3A_225 = vector.broadcast %and3A_224 : i32 to vector<16xi32>
      %and3A_226 = arith.andi %add3A_220, %and3A_225 : vector<16xi32>
      %gather3A_227 = tpu.vector_load_idx %arg5[%shift_right_logical3A_223, %and3A_226] : memref<200x128xi32, #tpu.memory_space<vmem>>[vector<16xi32>, vector<16xi32>], vector<16xi32>,
      %swap3A_228 = arith.index_cast %scan3A_164 : i32 to index
      %swap3A_229 = arith.constant 64 : index
      %swap3A_230 = tpu.vector_load %arg6[%swap3A_228, %swap3A_229] {strides = array<i32>} : memref<200x128xi32, #tpu.memory_space<vmem>>, vector<16xi32>,
      tpu.vector_store %arg6[%swap3A_228, %swap3A_229], %gather3A_227 {strides = array<i32>} : memref<200x128xi32, #tpu.memory_space<vmem>>, vector<16xi32>,
      %add3A_231 = arith.constant 16000 : i32
      %add3A_232 = arith.addi %add3A_231, %scan3A_164 : i32
      %add3A_233 = vector.broadcast %add3A_232 : i32 to vector<16xi32>
      %add3A_234 = arith.addi %mul3A_5, %add3A_233 : vector<16xi32>
      %shift_right_logical3A_235 = arith.constant 7 : i32
      %shift_right_logical3A_236 = vector.broadcast %shift_right_logical3A_235 : i32 to vector<16xi32>
      %shift_right_logical3A_237 = arith.shrui %add3A_234, %shift_right_logical3A_236 : vector<16xi32>
      %and3A_238 = arith.constant 127 : i32
      %and3A_239 = vector.broadcast %and3A_238 : i32 to vector<16xi32>
      %and3A_240 = arith.andi %add3A_234, %and3A_239 : vector<16xi32>
      %gather3A_241 = tpu.vector_load_idx %arg5[%shift_right_logical3A_237, %and3A_240] : memref<200x128xi32, #tpu.memory_space<vmem>>[vector<16xi32>, vector<16xi32>], vector<16xi32>,
      %swap3A_242 = arith.index_cast %scan3A_164 : i32 to index
      %swap3A_243 = arith.constant 80 : index
      %swap3A_244 = tpu.vector_load %arg6[%swap3A_242, %swap3A_243] {strides = array<i32>} : memref<200x128xi32, #tpu.memory_space<vmem>>, vector<16xi32>,
      tpu.vector_store %arg6[%swap3A_242, %swap3A_243], %gather3A_241 {strides = array<i32>} : memref<200x128xi32, #tpu.memory_space<vmem>>, vector<16xi32>,
      %add3A_245 = arith.constant 19200 : i32
      %add3A_246 = arith.addi %add3A_245, %scan3A_164 : i32
      %add3A_247 = vector.broadcast %add3A_246 : i32 to vector<16xi32>
      %add3A_248 = arith.addi %mul3A_5, %add3A_247 : vector<16xi32>
      %shift_right_logical3A_249 = arith.constant 7 : i32
      %shift_right_logical3A_250 = vector.broadcast %shift_right_logical3A_249 : i32 to vector<16xi32>
      %shift_right_logical3A_251 = arith.shrui %add3A_248, %shift_right_logical3A_250 : vector<16xi32>
      %and3A_252 = arith.constant 127 : i32
      %and3A_253 = vector.broadcast %and3A_252 : i32 to vector<16xi32>
      %and3A_254 = arith.andi %add3A_248, %and3A_253 : vector<16xi32>
      %gather3A_255 = tpu.vector_load_idx %arg5[%shift_right_logical3A_251, %and3A_254] : memref<200x128xi32, #tpu.memory_space<vmem>>[vector<16xi32>, vector<16xi32>], vector<16xi32>,
      %swap3A_256 = arith.index_cast %scan3A_164 : i32 to index
      %swap3A_257 = arith.constant 96 : index
      %swap3A_258 = tpu.vector_load %arg6[%swap3A_256, %swap3A_257] {strides = array<i32>} : memref<200x128xi32, #tpu.memory_space<vmem>>, vector<16xi32>,
      tpu.vector_store %arg6[%swap3A_256, %swap3A_257], %gather3A_255 {strides = array<i32>} : memref<200x128xi32, #tpu.memory_space<vmem>>, vector<16xi32>,
      %add3A_259 = arith.constant 22400 : i32
      %add3A_260 = arith.addi %add3A_259, %scan3A_164 : i32
      %add3A_261 = vector.broadcast %add3A_260 : i32 to vector<16xi32>
      %add3A_262 = arith.addi %mul3A_5, %add3A_261 : vector<16xi32>
      %shift_right_logical3A_263 = arith.constant 7 : i32
      %shift_right_logical3A_264 = vector.broadcast %shift_right_logical3A_263 : i32 to vector<16xi32>
      %shift_right_logical3A_265 = arith.shrui %add3A_262, %shift_right_logical3A_264 : vector<16xi32>
      %and3A_266 = arith.constant 127 : i32
      %and3A_267 = vector.broadcast %and3A_266 : i32 to vector<16xi32>
      %and3A_268 = arith.andi %add3A_262, %and3A_267 : vector<16xi32>
      %gather3A_269 = tpu.vector_load_idx %arg5[%shift_right_logical3A_265, %and3A_268] : memref<200x128xi32, #tpu.memory_space<vmem>>[vector<16xi32>, vector<16xi32>], vector<16xi32>,
      %swap3A_270 = arith.index_cast %scan3A_164 : i32 to index
      %swap3A_271 = arith.constant 112 : index
      %swap3A_272 = tpu.vector_load %arg6[%swap3A_270, %swap3A_271] {strides = array<i32>} : memref<200x128xi32, #tpu.memory_space<vmem>>, vector<16xi32>,
      tpu.vector_store %arg6[%swap3A_270, %swap3A_271], %gather3A_269 {strides = array<i32>} : memref<200x128xi32, #tpu.memory_space<vmem>>, vector<16xi32>,
    }
    %scan3A_10 = arith.constant 10 : i32
    %broadcast_in_dim3A = arith.constant 0.000000e+00 : f32
    %broadcast_in_dim3A_11 = vector.broadcast %broadcast_in_dim3A : f32 to vector<16xf32>
    %scan3A_12 = arith.constant 0 : i32
    %scan3A_13 = arith.constant 0 : i32
    %scan3A_14 = arith.constant 128 : i32
    %scan3A_15 = arith.addi %scan3A_13, %scan3A_14 : i32
    %scan3A_16 = arith.constant 1 : i32
    scf.for %scan3A_164 = %scan3A_13 to %scan3A_15 step %scan3A_16  : i32 {
      %swap3A = arith.index_cast %scan3A_164 : i32 to index
      %swap3A_165 = arith.constant 0 : index
      %swap3A_166 = tpu.vector_load %arg7[%swap3A, %swap3A_165] {strides = array<i32>} : memref<128x64xf32, #tpu.memory_space<vmem>>, vector<16xf32>,
      tpu.vector_store %arg7[%swap3A, %swap3A_165], %broadcast_in_dim3A_11 {strides = array<i32>} : memref<128x64xf32, #tpu.memory_space<vmem>>, vector<16xf32>,
      %swap3A_167 = arith.index_cast %scan3A_164 : i32 to index
      %swap3A_168 = arith.constant 16 : index
      %swap3A_169 = tpu.vector_load %arg7[%swap3A_167, %swap3A_168] {strides = array<i32>} : memref<128x64xf32, #tpu.memory_space<vmem>>, vector<16xf32>,
      tpu.vector_store %arg7[%swap3A_167, %swap3A_168], %broadcast_in_dim3A_11 {strides = array<i32>} : memref<128x64xf32, #tpu.memory_space<vmem>>, vector<16xf32>,
      %swap3A_170 = arith.index_cast %scan3A_164 : i32 to index
      %swap3A_171 = arith.constant 32 : index
      %swap3A_172 = tpu.vector_load %arg7[%swap3A_170, %swap3A_171] {strides = array<i32>} : memref<128x64xf32, #tpu.memory_space<vmem>>, vector<16xf32>,
      tpu.vector_store %arg7[%swap3A_170, %swap3A_171], %broadcast_in_dim3A_11 {strides = array<i32>} : memref<128x64xf32, #tpu.memory_space<vmem>>, vector<16xf32>,
      %swap3A_173 = arith.index_cast %scan3A_164 : i32 to index
      %swap3A_174 = arith.constant 48 : index
      %swap3A_175 = tpu.vector_load %arg7[%swap3A_173, %swap3A_174] {strides = array<i32>} : memref<128x64xf32, #tpu.memory_space<vmem>>, vector<16xf32>,
      tpu.vector_store %arg7[%swap3A_173, %swap3A_174], %broadcast_in_dim3A_11 {strides = array<i32>} : memref<128x64xf32, #tpu.memory_space<vmem>>, vector<16xf32>,
    }
    %scan3A_17 = arith.constant 128 : i32
    %dma_start3A = arith.constant 0 : i32
    %dma_start3A_18 = arith.constant 0 : i32
    %dma_start3A_19 = tpu.memref_slice %arg6[%dma_start3A, %dma_start3A_18] : memref<200x128xi32, #tpu.memory_space<vmem>> -> memref<1x128xi32, #tpu.memory_space<vmem>>
    %dma_start3A_20 = tpu.memref_squeeze %dma_start3A_19 : memref<1x128xi32, #tpu.memory_space<vmem>> -> memref<128xi32, #tpu.memory_space<vmem>>
    %dma_start3A_21 = arith.constant 0 : i32
    %dma_start3A_22 = arith.constant 0 : i32
    %dma_start3A_23 = tpu.memref_slice %arg3[%dma_start3A_21, %dma_start3A_22] : memref<100000x64xf32, #tpu.memory_space<hbm>> -> memref<100000x64xf32, #tpu.memory_space<hbm>>
    tpu.enqueue_indirect_dma source(%dma_start3A_23 : memref<100000x64xf32, #tpu.memory_space<hbm>>) target(%arg7 : memref<128x64xf32, #tpu.memory_space<vmem>>) offsets(%dma_start3A_20 : memref<128xi32, #tpu.memory_space<vmem>>) semaphore(%arg8 : memref<!tpu.dma_semaphore, #tpu.memory_space<semaphore_mem>>) {add = true}
    %dma_start3A_24 = arith.constant 1 : i32
    %dma_start3A_25 = arith.constant 0 : i32
    %dma_start3A_26 = tpu.memref_slice %arg6[%dma_start3A_24, %dma_start3A_25] : memref<200x128xi32, #tpu.memory_space<vmem>> -> memref<1x128xi32, #tpu.memory_space<vmem>>
    %dma_start3A_27 = tpu.memref_squeeze %dma_start3A_26 : memref<1x128xi32, #tpu.memory_space<vmem>> -> memref<128xi32, #tpu.memory_space<vmem>>
    %dma_start3A_28 = arith.constant 0 : i32
    %dma_start3A_29 = arith.constant 0 : i32
    %dma_start3A_30 = tpu.memref_slice %arg3[%dma_start3A_28, %dma_start3A_29] : memref<100000x64xf32, #tpu.memory_space<hbm>> -> memref<100000x64xf32, #tpu.memory_space<hbm>>
    tpu.enqueue_indirect_dma source(%dma_start3A_30 : memref<100000x64xf32, #tpu.memory_space<hbm>>) target(%arg7 : memref<128x64xf32, #tpu.memory_space<vmem>>) offsets(%dma_start3A_27 : memref<128xi32, #tpu.memory_space<vmem>>) semaphore(%arg8 : memref<!tpu.dma_semaphore, #tpu.memory_space<semaphore_mem>>) {add = true}
    %dma_start3A_31 = arith.constant 2 : i32
    %dma_start3A_32 = arith.constant 0 : i32
    %dma_start3A_33 = tpu.memref_slice %arg6[%dma_start3A_31, %dma_start3A_32] : memref<200x128xi32, #tpu.memory_space<vmem>> -> memref<1x128xi32, #tpu.memory_space<vmem>>
    %dma_start3A_34 = tpu.memref_squeeze %dma_start3A_33 : memref<1x128xi32, #tpu.memory_space<vmem>> -> memref<128xi32, #tpu.memory_space<vmem>>
    %dma_start3A_35 = arith.constant 0 : i32
    %dma_start3A_36 = arith.constant 0 : i32
    %dma_start3A_37 = tpu.memref_slice %arg3[%dma_start3A_35, %dma_start3A_36] : memref<100000x64xf32, #tpu.memory_space<hbm>> -> memref<100000x64xf32, #tpu.memory_space<hbm>>
    tpu.enqueue_indirect_dma source(%dma_start3A_37 : memref<100000x64xf32, #tpu.memory_space<hbm>>) target(%arg7 : memref<128x64xf32, #tpu.memory_space<vmem>>) offsets(%dma_start3A_34 : memref<128xi32, #tpu.memory_space<vmem>>) semaphore(%arg8 : memref<!tpu.dma_semaphore, #tpu.memory_space<semaphore_mem>>) {add = true}
    %dma_start3A_38 = arith.constant 3 : i32
    %dma_start3A_39 = arith.constant 0 : i32
    %dma_start3A_40 = tpu.memref_slice %arg6[%dma_start3A_38, %dma_start3A_39] : memref<200x128xi32, #tpu.memory_space<vmem>> -> memref<1x128xi32, #tpu.memory_space<vmem>>
    %dma_start3A_41 = tpu.memref_squeeze %dma_start3A_40 : memref<1x128xi32, #tpu.memory_space<vmem>> -> memref<128xi32, #tpu.memory_space<vmem>>
    %dma_start3A_42 = arith.constant 0 : i32
    %dma_start3A_43 = arith.constant 0 : i32
    %dma_start3A_44 = tpu.memref_slice %arg3[%dma_start3A_42, %dma_start3A_43] : memref<100000x64xf32, #tpu.memory_space<hbm>> -> memref<100000x64xf32, #tpu.memory_space<hbm>>
    tpu.enqueue_indirect_dma source(%dma_start3A_44 : memref<100000x64xf32, #tpu.memory_space<hbm>>) target(%arg7 : memref<128x64xf32, #tpu.memory_space<vmem>>) offsets(%dma_start3A_41 : memref<128xi32, #tpu.memory_space<vmem>>) semaphore(%arg8 : memref<!tpu.dma_semaphore, #tpu.memory_space<semaphore_mem>>) {add = true}
    %dma_start3A_45 = arith.constant 4 : i32
    %dma_start3A_46 = arith.constant 0 : i32
    %dma_start3A_47 = tpu.memref_slice %arg6[%dma_start3A_45, %dma_start3A_46] : memref<200x128xi32, #tpu.memory_space<vmem>> -> memref<1x128xi32, #tpu.memory_space<vmem>>
    %dma_start3A_48 = tpu.memref_squeeze %dma_start3A_47 : memref<1x128xi32, #tpu.memory_space<vmem>> -> memref<128xi32, #tpu.memory_space<vmem>>
    %dma_start3A_49 = arith.constant 0 : i32
    %dma_start3A_50 = arith.constant 0 : i32
    %dma_start3A_51 = tpu.memref_slice %arg3[%dma_start3A_49, %dma_start3A_50] : memref<100000x64xf32, #tpu.memory_space<hbm>> -> memref<100000x64xf32, #tpu.memory_space<hbm>>
    tpu.enqueue_indirect_dma source(%dma_start3A_51 : memref<100000x64xf32, #tpu.memory_space<hbm>>) target(%arg7 : memref<128x64xf32, #tpu.memory_space<vmem>>) offsets(%dma_start3A_48 : memref<128xi32, #tpu.memory_space<vmem>>) semaphore(%arg8 : memref<!tpu.dma_semaphore, #tpu.memory_space<semaphore_mem>>) {add = true}
    %dma_start3A_52 = arith.constant 5 : i32
    %dma_start3A_53 = arith.constant 0 : i32
    %dma_start3A_54 = tpu.memref_slice %arg6[%dma_start3A_52, %dma_start3A_53] : memref<200x128xi32, #tpu.memory_space<vmem>> -> memref<1x128xi32, #tpu.memory_space<vmem>>
    %dma_start3A_55 = tpu.memref_squeeze %dma_start3A_54 : memref<1x128xi32, #tpu.memory_space<vmem>> -> memref<128xi32, #tpu.memory_space<vmem>>
    %dma_start3A_56 = arith.constant 0 : i32
    %dma_start3A_57 = arith.constant 0 : i32
    %dma_start3A_58 = tpu.memref_slice %arg3[%dma_start3A_56, %dma_start3A_57] : memref<100000x64xf32, #tpu.memory_space<hbm>> -> memref<100000x64xf32, #tpu.memory_space<hbm>>
    tpu.enqueue_indirect_dma source(%dma_start3A_58 : memref<100000x64xf32, #tpu.memory_space<hbm>>) target(%arg7 : memref<128x64xf32, #tpu.memory_space<vmem>>) offsets(%dma_start3A_55 : memref<128xi32, #tpu.memory_space<vmem>>) semaphore(%arg8 : memref<!tpu.dma_semaphore, #tpu.memory_space<semaphore_mem>>) {add = true}
    %dma_start3A_59 = arith.constant 6 : i32
    %dma_start3A_60 = arith.constant 0 : i32
    %dma_start3A_61 = tpu.memref_slice %arg6[%dma_start3A_59, %dma_start3A_60] : memref<200x128xi32, #tpu.memory_space<vmem>> -> memref<1x128xi32, #tpu.memory_space<vmem>>
    %dma_start3A_62 = tpu.memref_squeeze %dma_start3A_61 : memref<1x128xi32, #tpu.memory_space<vmem>> -> memref<128xi32, #tpu.memory_space<vmem>>
    %dma_start3A_63 = arith.constant 0 : i32
    %dma_start3A_64 = arith.constant 0 : i32
    %dma_start3A_65 = tpu.memref_slice %arg3[%dma_start3A_63, %dma_start3A_64] : memref<100000x64xf32, #tpu.memory_space<hbm>> -> memref<100000x64xf32, #tpu.memory_space<hbm>>
    tpu.enqueue_indirect_dma source(%dma_start3A_65 : memref<100000x64xf32, #tpu.memory_space<hbm>>) target(%arg7 : memref<128x64xf32, #tpu.memory_space<vmem>>) offsets(%dma_start3A_62 : memref<128xi32, #tpu.memory_space<vmem>>) semaphore(%arg8 : memref<!tpu.dma_semaphore, #tpu.memory_space<semaphore_mem>>) {add = true}
    %dma_start3A_66 = arith.constant 7 : i32
    %dma_start3A_67 = arith.constant 0 : i32
    %dma_start3A_68 = tpu.memref_slice %arg6[%dma_start3A_66, %dma_start3A_67] : memref<200x128xi32, #tpu.memory_space<vmem>> -> memref<1x128xi32, #tpu.memory_space<vmem>>
    %dma_start3A_69 = tpu.memref_squeeze %dma_start3A_68 : memref<1x128xi32, #tpu.memory_space<vmem>> -> memref<128xi32, #tpu.memory_space<vmem>>
    %dma_start3A_70 = arith.constant 0 : i32
    %dma_start3A_71 = arith.constant 0 : i32
    %dma_start3A_72 = tpu.memref_slice %arg3[%dma_start3A_70, %dma_start3A_71] : memref<100000x64xf32, #tpu.memory_space<hbm>> -> memref<100000x64xf32, #tpu.memory_space<hbm>>
    tpu.enqueue_indirect_dma source(%dma_start3A_72 : memref<100000x64xf32, #tpu.memory_space<hbm>>) target(%arg7 : memref<128x64xf32, #tpu.memory_space<vmem>>) offsets(%dma_start3A_69 : memref<128xi32, #tpu.memory_space<vmem>>) semaphore(%arg8 : memref<!tpu.dma_semaphore, #tpu.memory_space<semaphore_mem>>) {add = true}
    %dma_start3A_73 = arith.constant 8 : i32
    %dma_start3A_74 = arith.constant 0 : i32
    %dma_start3A_75 = tpu.memref_slice %arg6[%dma_start3A_73, %dma_start3A_74] : memref<200x128xi32, #tpu.memory_space<vmem>> -> memref<1x128xi32, #tpu.memory_space<vmem>>
    %dma_start3A_76 = tpu.memref_squeeze %dma_start3A_75 : memref<1x128xi32, #tpu.memory_space<vmem>> -> memref<128xi32, #tpu.memory_space<vmem>>
    %dma_start3A_77 = arith.constant 0 : i32
    %dma_start3A_78 = arith.constant 0 : i32
    %dma_start3A_79 = tpu.memref_slice %arg3[%dma_start3A_77, %dma_start3A_78] : memref<100000x64xf32, #tpu.memory_space<hbm>> -> memref<100000x64xf32, #tpu.memory_space<hbm>>
    tpu.enqueue_indirect_dma source(%dma_start3A_79 : memref<100000x64xf32, #tpu.memory_space<hbm>>) target(%arg7 : memref<128x64xf32, #tpu.memory_space<vmem>>) offsets(%dma_start3A_76 : memref<128xi32, #tpu.memory_space<vmem>>) semaphore(%arg8 : memref<!tpu.dma_semaphore, #tpu.memory_space<semaphore_mem>>) {add = true}
    %dma_start3A_80 = arith.constant 9 : i32
    %dma_start3A_81 = arith.constant 0 : i32
    %dma_start3A_82 = tpu.memref_slice %arg6[%dma_start3A_80, %dma_start3A_81] : memref<200x128xi32, #tpu.memory_space<vmem>> -> memref<1x128xi32, #tpu.memory_space<vmem>>
    %dma_start3A_83 = tpu.memref_squeeze %dma_start3A_82 : memref<1x128xi32, #tpu.memory_space<vmem>> -> memref<128xi32, #tpu.memory_space<vmem>>
    %dma_start3A_84 = arith.constant 0 : i32
    %dma_start3A_85 = arith.constant 0 : i32
    %dma_start3A_86 = tpu.memref_slice %arg3[%dma_start3A_84, %dma_start3A_85] : memref<100000x64xf32, #tpu.memory_space<hbm>> -> memref<100000x64xf32, #tpu.memory_space<hbm>>
    tpu.enqueue_indirect_dma source(%dma_start3A_86 : memref<100000x64xf32, #tpu.memory_space<hbm>>) target(%arg7 : memref<128x64xf32, #tpu.memory_space<vmem>>) offsets(%dma_start3A_83 : memref<128xi32, #tpu.memory_space<vmem>>) semaphore(%arg8 : memref<!tpu.dma_semaphore, #tpu.memory_space<semaphore_mem>>) {add = true}
    %scan3A_87 = arith.constant 0 : i32
    %scan3A_88 = arith.constant 1 : i32
    %scan3A_89 = arith.constant 19 : i32
    %scan3A_90 = arith.addi %scan3A_88, %scan3A_89 : i32
    %scan3A_91 = arith.constant 1 : i32
    scf.for %scan3A_164 = %scan3A_88 to %scan3A_90 step %scan3A_91  : i32 {
      %mul3A_165 = arith.constant 10 : i32
      %mul3A_166 = arith.muli %scan3A_164, %mul3A_165 : i32
      %add3A_167 = arith.constant 1 : i32
      %add3A_168 = arith.addi %scan3A_164, %add3A_167 : i32
      %mul3A_169 = arith.constant 10 : i32
      %mul3A_170 = arith.muli %add3A_168, %mul3A_169 : i32
      %while3A = arith.constant 0 : i32
      %while3A_171 = arith.subi %mul3A_170, %mul3A_166 : i32
      %while3A_172 = arith.addi %mul3A_166, %while3A_171 : i32
      %while3A_173 = arith.constant 1 : i32
      %while3A_174 = arith.divsi %while3A_171, %while3A_173 : i32
      %while3A_175 = arith.muli %while3A_174, %while3A_173 : i32
      %while3A_176 = arith.addi %mul3A_166, %while3A_175 : i32
      %while3A_177 = arith.constant 1 : i32
      scf.for %while3A_339 = %mul3A_166 to %while3A_176 step %while3A_177  : i32 {
        %add3A_340 = arith.constant 0 : i32
        %add3A_341 = arith.addi %add3A_340, %while3A_339 : i32
        %add3A_342 = vector.broadcast %add3A_341 : i32 to vector<16xi32>
        %add3A_343 = arith.addi %mul3A_5, %add3A_342 : vector<16xi32>
        %shift_right_logical3A = arith.constant 7 : i32
        %shift_right_logical3A_344 = vector.broadcast %shift_right_logical3A : i32 to vector<16xi32>
        %shift_right_logical3A_345 = arith.shrui %add3A_343, %shift_right_logical3A_344 : vector<16xi32>
        %and3A = arith.constant 127 : i32
        %and3A_346 = vector.broadcast %and3A : i32 to vector<16xi32>
        %and3A_347 = arith.andi %add3A_343, %and3A_346 : vector<16xi32>
        %gather3A = tpu.vector_load_idx %arg5[%shift_right_logical3A_345, %and3A_347] : memref<200x128xi32, #tpu.memory_space<vmem>>[vector<16xi32>, vector<16xi32>], vector<16xi32>,
        %swap3A = arith.index_cast %while3A_339 : i32 to index
        %swap3A_348 = arith.constant 0 : index
        %swap3A_349 = tpu.vector_load %arg6[%swap3A, %swap3A_348] {strides = array<i32>} : memref<200x128xi32, #tpu.memory_space<vmem>>, vector<16xi32>,
        tpu.vector_store %arg6[%swap3A, %swap3A_348], %gather3A {strides = array<i32>} : memref<200x128xi32, #tpu.memory_space<vmem>>, vector<16xi32>,
        %add3A_350 = arith.constant 3200 : i32
        %add3A_351 = arith.addi %add3A_350, %while3A_339 : i32
        %add3A_352 = vector.broadcast %add3A_351 : i32 to vector<16xi32>
        %add3A_353 = arith.addi %mul3A_5, %add3A_352 : vector<16xi32>
        %shift_right_logical3A_354 = arith.constant 7 : i32
        %shift_right_logical3A_355 = vector.broadcast %shift_right_logical3A_354 : i32 to vector<16xi32>
        %shift_right_logical3A_356 = arith.shrui %add3A_353, %shift_right_logical3A_355 : vector<16xi32>
        %and3A_357 = arith.constant 127 : i32
        %and3A_358 = vector.broadcast %and3A_357 : i32 to vector<16xi32>
        %and3A_359 = arith.andi %add3A_353, %and3A_358 : vector<16xi32>
        %gather3A_360 = tpu.vector_load_idx %arg5[%shift_right_logical3A_356, %and3A_359] : memref<200x128xi32, #tpu.memory_space<vmem>>[vector<16xi32>, vector<16xi32>], vector<16xi32>,
        %swap3A_361 = arith.index_cast %while3A_339 : i32 to index
        %swap3A_362 = arith.constant 16 : index
        %swap3A_363 = tpu.vector_load %arg6[%swap3A_361, %swap3A_362] {strides = array<i32>} : memref<200x128xi32, #tpu.memory_space<vmem>>, vector<16xi32>,
        tpu.vector_store %arg6[%swap3A_361, %swap3A_362], %gather3A_360 {strides = array<i32>} : memref<200x128xi32, #tpu.memory_space<vmem>>, vector<16xi32>,
        %add3A_364 = arith.constant 6400 : i32
        %add3A_365 = arith.addi %add3A_364, %while3A_339 : i32
        %add3A_366 = vector.broadcast %add3A_365 : i32 to vector<16xi32>
        %add3A_367 = arith.addi %mul3A_5, %add3A_366 : vector<16xi32>
        %shift_right_logical3A_368 = arith.constant 7 : i32
        %shift_right_logical3A_369 = vector.broadcast %shift_right_logical3A_368 : i32 to vector<16xi32>
        %shift_right_logical3A_370 = arith.shrui %add3A_367, %shift_right_logical3A_369 : vector<16xi32>
        %and3A_371 = arith.constant 127 : i32
        %and3A_372 = vector.broadcast %and3A_371 : i32 to vector<16xi32>
        %and3A_373 = arith.andi %add3A_367, %and3A_372 : vector<16xi32>
        %gather3A_374 = tpu.vector_load_idx %arg5[%shift_right_logical3A_370, %and3A_373] : memref<200x128xi32, #tpu.memory_space<vmem>>[vector<16xi32>, vector<16xi32>], vector<16xi32>,
        %swap3A_375 = arith.index_cast %while3A_339 : i32 to index
        %swap3A_376 = arith.constant 32 : index
        %swap3A_377 = tpu.vector_load %arg6[%swap3A_375, %swap3A_376] {strides = array<i32>} : memref<200x128xi32, #tpu.memory_space<vmem>>, vector<16xi32>,
        tpu.vector_store %arg6[%swap3A_375, %swap3A_376], %gather3A_374 {strides = array<i32>} : memref<200x128xi32, #tpu.memory_space<vmem>>, vector<16xi32>,
        %add3A_378 = arith.constant 9600 : i32
        %add3A_379 = arith.addi %add3A_378, %while3A_339 : i32
        %add3A_380 = vector.broadcast %add3A_379 : i32 to vector<16xi32>
        %add3A_381 = arith.addi %mul3A_5, %add3A_380 : vector<16xi32>
        %shift_right_logical3A_382 = arith.constant 7 : i32
        %shift_right_logical3A_383 = vector.broadcast %shift_right_logical3A_382 : i32 to vector<16xi32>
        %shift_right_logical3A_384 = arith.shrui %add3A_381, %shift_right_logical3A_383 : vector<16xi32>
        %and3A_385 = arith.constant 127 : i32
        %and3A_386 = vector.broadcast %and3A_385 : i32 to vector<16xi32>
        %and3A_387 = arith.andi %add3A_381, %and3A_386 : vector<16xi32>
        %gather3A_388 = tpu.vector_load_idx %arg5[%shift_right_logical3A_384, %and3A_387] : memref<200x128xi32, #tpu.memory_space<vmem>>[vector<16xi32>, vector<16xi32>], vector<16xi32>,
        %swap3A_389 = arith.index_cast %while3A_339 : i32 to index
        %swap3A_390 = arith.constant 48 : index
        %swap3A_391 = tpu.vector_load %arg6[%swap3A_389, %swap3A_390] {strides = array<i32>} : memref<200x128xi32, #tpu.memory_space<vmem>>, vector<16xi32>,
        tpu.vector_store %arg6[%swap3A_389, %swap3A_390], %gather3A_388 {strides = array<i32>} : memref<200x128xi32, #tpu.memory_space<vmem>>, vector<16xi32>,
        %add3A_392 = arith.constant 12800 : i32
        %add3A_393 = arith.addi %add3A_392, %while3A_339 : i32
        %add3A_394 = vector.broadcast %add3A_393 : i32 to vector<16xi32>
        %add3A_395 = arith.addi %mul3A_5, %add3A_394 : vector<16xi32>
        %shift_right_logical3A_396 = arith.constant 7 : i32
        %shift_right_logical3A_397 = vector.broadcast %shift_right_logical3A_396 : i32 to vector<16xi32>
        %shift_right_logical3A_398 = arith.shrui %add3A_395, %shift_right_logical3A_397 : vector<16xi32>
        %and3A_399 = arith.constant 127 : i32
        %and3A_400 = vector.broadcast %and3A_399 : i32 to vector<16xi32>
        %and3A_401 = arith.andi %add3A_395, %and3A_400 : vector<16xi32>
        %gather3A_402 = tpu.vector_load_idx %arg5[%shift_right_logical3A_398, %and3A_401] : memref<200x128xi32, #tpu.memory_space<vmem>>[vector<16xi32>, vector<16xi32>], vector<16xi32>,
        %swap3A_403 = arith.index_cast %while3A_339 : i32 to index
        %swap3A_404 = arith.constant 64 : index
        %swap3A_405 = tpu.vector_load %arg6[%swap3A_403, %swap3A_404] {strides = array<i32>} : memref<200x128xi32, #tpu.memory_space<vmem>>, vector<16xi32>,
        tpu.vector_store %arg6[%swap3A_403, %swap3A_404], %gather3A_402 {strides = array<i32>} : memref<200x128xi32, #tpu.memory_space<vmem>>, vector<16xi32>,
        %add3A_406 = arith.constant 16000 : i32
        %add3A_407 = arith.addi %add3A_406, %while3A_339 : i32
        %add3A_408 = vector.broadcast %add3A_407 : i32 to vector<16xi32>
        %add3A_409 = arith.addi %mul3A_5, %add3A_408 : vector<16xi32>
        %shift_right_logical3A_410 = arith.constant 7 : i32
        %shift_right_logical3A_411 = vector.broadcast %shift_right_logical3A_410 : i32 to vector<16xi32>
        %shift_right_logical3A_412 = arith.shrui %add3A_409, %shift_right_logical3A_411 : vector<16xi32>
        %and3A_413 = arith.constant 127 : i32
        %and3A_414 = vector.broadcast %and3A_413 : i32 to vector<16xi32>
        %and3A_415 = arith.andi %add3A_409, %and3A_414 : vector<16xi32>
        %gather3A_416 = tpu.vector_load_idx %arg5[%shift_right_logical3A_412, %and3A_415] : memref<200x128xi32, #tpu.memory_space<vmem>>[vector<16xi32>, vector<16xi32>], vector<16xi32>,
        %swap3A_417 = arith.index_cast %while3A_339 : i32 to index
        %swap3A_418 = arith.constant 80 : index
        %swap3A_419 = tpu.vector_load %arg6[%swap3A_417, %swap3A_418] {strides = array<i32>} : memref<200x128xi32, #tpu.memory_space<vmem>>, vector<16xi32>,
        tpu.vector_store %arg6[%swap3A_417, %swap3A_418], %gather3A_416 {strides = array<i32>} : memref<200x128xi32, #tpu.memory_space<vmem>>, vector<16xi32>,
        %add3A_420 = arith.constant 19200 : i32
        %add3A_421 = arith.addi %add3A_420, %while3A_339 : i32
        %add3A_422 = vector.broadcast %add3A_421 : i32 to vector<16xi32>
        %add3A_423 = arith.addi %mul3A_5, %add3A_422 : vector<16xi32>
        %shift_right_logical3A_424 = arith.constant 7 : i32
        %shift_right_logical3A_425 = vector.broadcast %shift_right_logical3A_424 : i32 to vector<16xi32>
        %shift_right_logical3A_426 = arith.shrui %add3A_423, %shift_right_logical3A_425 : vector<16xi32>
        %and3A_427 = arith.constant 127 : i32
        %and3A_428 = vector.broadcast %and3A_427 : i32 to vector<16xi32>
        %and3A_429 = arith.andi %add3A_423, %and3A_428 : vector<16xi32>
        %gather3A_430 = tpu.vector_load_idx %arg5[%shift_right_logical3A_426, %and3A_429] : memref<200x128xi32, #tpu.memory_space<vmem>>[vector<16xi32>, vector<16xi32>], vector<16xi32>,
        %swap3A_431 = arith.index_cast %while3A_339 : i32 to index
        %swap3A_432 = arith.constant 96 : index
        %swap3A_433 = tpu.vector_load %arg6[%swap3A_431, %swap3A_432] {strides = array<i32>} : memref<200x128xi32, #tpu.memory_space<vmem>>, vector<16xi32>,
        tpu.vector_store %arg6[%swap3A_431, %swap3A_432], %gather3A_430 {strides = array<i32>} : memref<200x128xi32, #tpu.memory_space<vmem>>, vector<16xi32>,
        %add3A_434 = arith.constant 22400 : i32
        %add3A_435 = arith.addi %add3A_434, %while3A_339 : i32
        %add3A_436 = vector.broadcast %add3A_435 : i32 to vector<16xi32>
        %add3A_437 = arith.addi %mul3A_5, %add3A_436 : vector<16xi32>
        %shift_right_logical3A_438 = arith.constant 7 : i32
        %shift_right_logical3A_439 = vector.broadcast %shift_right_logical3A_438 : i32 to vector<16xi32>
        %shift_right_logical3A_440 = arith.shrui %add3A_437, %shift_right_logical3A_439 : vector<16xi32>
        %and3A_441 = arith.constant 127 : i32
        %and3A_442 = vector.broadcast %and3A_441 : i32 to vector<16xi32>
        %and3A_443 = arith.andi %add3A_437, %and3A_442 : vector<16xi32>
        %gather3A_444 = tpu.vector_load_idx %arg5[%shift_right_logical3A_440, %and3A_443] : memref<200x128xi32, #tpu.memory_space<vmem>>[vector<16xi32>, vector<16xi32>], vector<16xi32>,
        %swap3A_445 = arith.index_cast %while3A_339 : i32 to index
        %swap3A_446 = arith.constant 112 : index
        %swap3A_447 = tpu.vector_load %arg6[%swap3A_445, %swap3A_446] {strides = array<i32>} : memref<200x128xi32, #tpu.memory_space<vmem>>, vector<16xi32>,
        tpu.vector_store %arg6[%swap3A_445, %swap3A_446], %gather3A_444 {strides = array<i32>} : memref<200x128xi32, #tpu.memory_space<vmem>>, vector<16xi32>,
      }
      %while3A_178 = arith.constant 1 : i32
      scf.for %while3A_339 = %while3A_176 to %while3A_172 step %while3A_178  : i32 {
        %add3A_340 = arith.constant 0 : i32
        %add3A_341 = arith.addi %add3A_340, %while3A_339 : i32
        %add3A_342 = vector.broadcast %add3A_341 : i32 to vector<16xi32>
        %add3A_343 = arith.addi %mul3A_5, %add3A_342 : vector<16xi32>
        %shift_right_logical3A = arith.constant 7 : i32
        %shift_right_logical3A_344 = vector.broadcast %shift_right_logical3A : i32 to vector<16xi32>
        %shift_right_logical3A_345 = arith.shrui %add3A_343, %shift_right_logical3A_344 : vector<16xi32>
        %and3A = arith.constant 127 : i32
        %and3A_346 = vector.broadcast %and3A : i32 to vector<16xi32>
        %and3A_347 = arith.andi %add3A_343, %and3A_346 : vector<16xi32>
        %gather3A = tpu.vector_load_idx %arg5[%shift_right_logical3A_345, %and3A_347] : memref<200x128xi32, #tpu.memory_space<vmem>>[vector<16xi32>, vector<16xi32>], vector<16xi32>,
        %swap3A = arith.index_cast %while3A_339 : i32 to index
        %swap3A_348 = arith.constant 0 : index
        %swap3A_349 = tpu.vector_load %arg6[%swap3A, %swap3A_348] {strides = array<i32>} : memref<200x128xi32, #tpu.memory_space<vmem>>, vector<16xi32>,
        tpu.vector_store %arg6[%swap3A, %swap3A_348], %gather3A {strides = array<i32>} : memref<200x128xi32, #tpu.memory_space<vmem>>, vector<16xi32>,
        %add3A_350 = arith.constant 3200 : i32
        %add3A_351 = arith.addi %add3A_350, %while3A_339 : i32
        %add3A_352 = vector.broadcast %add3A_351 : i32 to vector<16xi32>
        %add3A_353 = arith.addi %mul3A_5, %add3A_352 : vector<16xi32>
        %shift_right_logical3A_354 = arith.constant 7 : i32
        %shift_right_logical3A_355 = vector.broadcast %shift_right_logical3A_354 : i32 to vector<16xi32>
        %shift_right_logical3A_356 = arith.shrui %add3A_353, %shift_right_logical3A_355 : vector<16xi32>
        %and3A_357 = arith.constant 127 : i32
        %and3A_358 = vector.broadcast %and3A_357 : i32 to vector<16xi32>
        %and3A_359 = arith.andi %add3A_353, %and3A_358 : vector<16xi32>
        %gather3A_360 = tpu.vector_load_idx %arg5[%shift_right_logical3A_356, %and3A_359] : memref<200x128xi32, #tpu.memory_space<vmem>>[vector<16xi32>, vector<16xi32>], vector<16xi32>,
        %swap3A_361 = arith.index_cast %while3A_339 : i32 to index
        %swap3A_362 = arith.constant 16 : index
        %swap3A_363 = tpu.vector_load %arg6[%swap3A_361, %swap3A_362] {strides = array<i32>} : memref<200x128xi32, #tpu.memory_space<vmem>>, vector<16xi32>,
        tpu.vector_store %arg6[%swap3A_361, %swap3A_362], %gather3A_360 {strides = array<i32>} : memref<200x128xi32, #tpu.memory_space<vmem>>, vector<16xi32>,
        %add3A_364 = arith.constant 6400 : i32
        %add3A_365 = arith.addi %add3A_364, %while3A_339 : i32
        %add3A_366 = vector.broadcast %add3A_365 : i32 to vector<16xi32>
        %add3A_367 = arith.addi %mul3A_5, %add3A_366 : vector<16xi32>
        %shift_right_logical3A_368 = arith.constant 7 : i32
        %shift_right_logical3A_369 = vector.broadcast %shift_right_logical3A_368 : i32 to vector<16xi32>
        %shift_right_logical3A_370 = arith.shrui %add3A_367, %shift_right_logical3A_369 : vector<16xi32>
        %and3A_371 = arith.constant 127 : i32
        %and3A_372 = vector.broadcast %and3A_371 : i32 to vector<16xi32>
        %and3A_373 = arith.andi %add3A_367, %and3A_372 : vector<16xi32>
        %gather3A_374 = tpu.vector_load_idx %arg5[%shift_right_logical3A_370, %and3A_373] : memref<200x128xi32, #tpu.memory_space<vmem>>[vector<16xi32>, vector<16xi32>], vector<16xi32>,
        %swap3A_375 = arith.index_cast %while3A_339 : i32 to index
        %swap3A_376 = arith.constant 32 : index
        %swap3A_377 = tpu.vector_load %arg6[%swap3A_375, %swap3A_376] {strides = array<i32>} : memref<200x128xi32, #tpu.memory_space<vmem>>, vector<16xi32>,
        tpu.vector_store %arg6[%swap3A_375, %swap3A_376], %gather3A_374 {strides = array<i32>} : memref<200x128xi32, #tpu.memory_space<vmem>>, vector<16xi32>,
        %add3A_378 = arith.constant 9600 : i32
        %add3A_379 = arith.addi %add3A_378, %while3A_339 : i32
        %add3A_380 = vector.broadcast %add3A_379 : i32 to vector<16xi32>
        %add3A_381 = arith.addi %mul3A_5, %add3A_380 : vector<16xi32>
        %shift_right_logical3A_382 = arith.constant 7 : i32
        %shift_right_logical3A_383 = vector.broadcast %shift_right_logical3A_382 : i32 to vector<16xi32>
        %shift_right_logical3A_384 = arith.shrui %add3A_381, %shift_right_logical3A_383 : vector<16xi32>
        %and3A_385 = arith.constant 127 : i32
        %and3A_386 = vector.broadcast %and3A_385 : i32 to vector<16xi32>
        %and3A_387 = arith.andi %add3A_381, %and3A_386 : vector<16xi32>
        %gather3A_388 = tpu.vector_load_idx %arg5[%shift_right_logical3A_384, %and3A_387] : memref<200x128xi32, #tpu.memory_space<vmem>>[vector<16xi32>, vector<16xi32>], vector<16xi32>,
        %swap3A_389 = arith.index_cast %while3A_339 : i32 to index
        %swap3A_390 = arith.constant 48 : index
        %swap3A_391 = tpu.vector_load %arg6[%swap3A_389, %swap3A_390] {strides = array<i32>} : memref<200x128xi32, #tpu.memory_space<vmem>>, vector<16xi32>,
        tpu.vector_store %arg6[%swap3A_389, %swap3A_390], %gather3A_388 {strides = array<i32>} : memref<200x128xi32, #tpu.memory_space<vmem>>, vector<16xi32>,
        %add3A_392 = arith.constant 12800 : i32
        %add3A_393 = arith.addi %add3A_392, %while3A_339 : i32
        %add3A_394 = vector.broadcast %add3A_393 : i32 to vector<16xi32>
        %add3A_395 = arith.addi %mul3A_5, %add3A_394 : vector<16xi32>
        %shift_right_logical3A_396 = arith.constant 7 : i32
        %shift_right_logical3A_397 = vector.broadcast %shift_right_logical3A_396 : i32 to vector<16xi32>
        %shift_right_logical3A_398 = arith.shrui %add3A_395, %shift_right_logical3A_397 : vector<16xi32>
        %and3A_399 = arith.constant 127 : i32
        %and3A_400 = vector.broadcast %and3A_399 : i32 to vector<16xi32>
        %and3A_401 = arith.andi %add3A_395, %and3A_400 : vector<16xi32>
        %gather3A_402 = tpu.vector_load_idx %arg5[%shift_right_logical3A_398, %and3A_401] : memref<200x128xi32, #tpu.memory_space<vmem>>[vector<16xi32>, vector<16xi32>], vector<16xi32>,
        %swap3A_403 = arith.index_cast %while3A_339 : i32 to index
        %swap3A_404 = arith.constant 64 : index
        %swap3A_405 = tpu.vector_load %arg6[%swap3A_403, %swap3A_404] {strides = array<i32>} : memref<200x128xi32, #tpu.memory_space<vmem>>, vector<16xi32>,
        tpu.vector_store %arg6[%swap3A_403, %swap3A_404], %gather3A_402 {strides = array<i32>} : memref<200x128xi32, #tpu.memory_space<vmem>>, vector<16xi32>,
        %add3A_406 = arith.constant 16000 : i32
        %add3A_407 = arith.addi %add3A_406, %while3A_339 : i32
        %add3A_408 = vector.broadcast %add3A_407 : i32 to vector<16xi32>
        %add3A_409 = arith.addi %mul3A_5, %add3A_408 : vector<16xi32>
        %shift_right_logical3A_410 = arith.constant 7 : i32
        %shift_right_logical3A_411 = vector.broadcast %shift_right_logical3A_410 : i32 to vector<16xi32>
        %shift_right_logical3A_412 = arith.shrui %add3A_409, %shift_right_logical3A_411 : vector<16xi32>
        %and3A_413 = arith.constant 127 : i32
        %and3A_414 = vector.broadcast %and3A_413 : i32 to vector<16xi32>
        %and3A_415 = arith.andi %add3A_409, %and3A_414 : vector<16xi32>
        %gather3A_416 = tpu.vector_load_idx %arg5[%shift_right_logical3A_412, %and3A_415] : memref<200x128xi32, #tpu.memory_space<vmem>>[vector<16xi32>, vector<16xi32>], vector<16xi32>,
        %swap3A_417 = arith.index_cast %while3A_339 : i32 to index
        %swap3A_418 = arith.constant 80 : index
        %swap3A_419 = tpu.vector_load %arg6[%swap3A_417, %swap3A_418] {strides = array<i32>} : memref<200x128xi32, #tpu.memory_space<vmem>>, vector<16xi32>,
        tpu.vector_store %arg6[%swap3A_417, %swap3A_418], %gather3A_416 {strides = array<i32>} : memref<200x128xi32, #tpu.memory_space<vmem>>, vector<16xi32>,
        %add3A_420 = arith.constant 19200 : i32
        %add3A_421 = arith.addi %add3A_420, %while3A_339 : i32
        %add3A_422 = vector.broadcast %add3A_421 : i32 to vector<16xi32>
        %add3A_423 = arith.addi %mul3A_5, %add3A_422 : vector<16xi32>
        %shift_right_logical3A_424 = arith.constant 7 : i32
        %shift_right_logical3A_425 = vector.broadcast %shift_right_logical3A_424 : i32 to vector<16xi32>
        %shift_right_logical3A_426 = arith.shrui %add3A_423, %shift_right_logical3A_425 : vector<16xi32>
        %and3A_427 = arith.constant 127 : i32
        %and3A_428 = vector.broadcast %and3A_427 : i32 to vector<16xi32>
        %and3A_429 = arith.andi %add3A_423, %and3A_428 : vector<16xi32>
        %gather3A_430 = tpu.vector_load_idx %arg5[%shift_right_logical3A_426, %and3A_429] : memref<200x128xi32, #tpu.memory_space<vmem>>[vector<16xi32>, vector<16xi32>], vector<16xi32>,
        %swap3A_431 = arith.index_cast %while3A_339 : i32 to index
        %swap3A_432 = arith.constant 96 : index
        %swap3A_433 = tpu.vector_load %arg6[%swap3A_431, %swap3A_432] {strides = array<i32>} : memref<200x128xi32, #tpu.memory_space<vmem>>, vector<16xi32>,
        tpu.vector_store %arg6[%swap3A_431, %swap3A_432], %gather3A_430 {strides = array<i32>} : memref<200x128xi32, #tpu.memory_space<vmem>>, vector<16xi32>,
        %add3A_434 = arith.constant 22400 : i32
        %add3A_435 = arith.addi %add3A_434, %while3A_339 : i32
        %add3A_436 = vector.broadcast %add3A_435 : i32 to vector<16xi32>
        %add3A_437 = arith.addi %mul3A_5, %add3A_436 : vector<16xi32>
        %shift_right_logical3A_438 = arith.constant 7 : i32
        %shift_right_logical3A_439 = vector.broadcast %shift_right_logical3A_438 : i32 to vector<16xi32>
        %shift_right_logical3A_440 = arith.shrui %add3A_437, %shift_right_logical3A_439 : vector<16xi32>
        %and3A_441 = arith.constant 127 : i32
        %and3A_442 = vector.broadcast %and3A_441 : i32 to vector<16xi32>
        %and3A_443 = arith.andi %add3A_437, %and3A_442 : vector<16xi32>
        %gather3A_444 = tpu.vector_load_idx %arg5[%shift_right_logical3A_440, %and3A_443] : memref<200x128xi32, #tpu.memory_space<vmem>>[vector<16xi32>, vector<16xi32>], vector<16xi32>,
        %swap3A_445 = arith.index_cast %while3A_339 : i32 to index
        %swap3A_446 = arith.constant 112 : index
        %swap3A_447 = tpu.vector_load %arg6[%swap3A_445, %swap3A_446] {strides = array<i32>} : memref<200x128xi32, #tpu.memory_space<vmem>>, vector<16xi32>,
        tpu.vector_store %arg6[%swap3A_445, %swap3A_446], %gather3A_444 {strides = array<i32>} : memref<200x128xi32, #tpu.memory_space<vmem>>, vector<16xi32>,
      }
      %mul3A_179 = arith.constant 10 : i32
      %mul3A_180 = arith.muli %scan3A_164, %mul3A_179 : i32
      %add3A_181 = arith.constant 0 : i32
      %add3A_182 = arith.addi %mul3A_180, %add3A_181 : i32
      %dma_start3A_183 = arith.constant 0 : i32
      %dma_start3A_184 = tpu.memref_slice %arg6[%add3A_182, %dma_start3A_183] : memref<200x128xi32, #tpu.memory_space<vmem>> -> memref<1x128xi32, #tpu.memory_space<vmem>>
      %dma_start3A_185 = tpu.memref_squeeze %dma_start3A_184 : memref<1x128xi32, #tpu.memory_space<vmem>> -> memref<128xi32, #tpu.memory_space<vmem>>
      %dma_start3A_186 = arith.constant 0 : i32
      %dma_start3A_187 = arith.constant 0 : i32
      %dma_start3A_188 = tpu.memref_slice %arg3[%dma_start3A_186, %dma_start3A_187] : memref<100000x64xf32, #tpu.memory_space<hbm>> -> memref<100000x64xf32, #tpu.memory_space<hbm>>
      tpu.enqueue_indirect_dma source(%dma_start3A_188 : memref<100000x64xf32, #tpu.memory_space<hbm>>) target(%arg7 : memref<128x64xf32, #tpu.memory_space<vmem>>) offsets(%dma_start3A_185 : memref<128xi32, #tpu.memory_space<vmem>>) semaphore(%arg8 : memref<!tpu.dma_semaphore, #tpu.memory_space<semaphore_mem>>) {add = true}
      %mul3A_189 = arith.constant 10 : i32
      %mul3A_190 = arith.muli %scan3A_164, %mul3A_189 : i32
      %add3A_191 = arith.constant 1 : i32
      %add3A_192 = arith.addi %mul3A_190, %add3A_191 : i32
      %dma_start3A_193 = arith.constant 0 : i32
      %dma_start3A_194 = tpu.memref_slice %arg6[%add3A_192, %dma_start3A_193] : memref<200x128xi32, #tpu.memory_space<vmem>> -> memref<1x128xi32, #tpu.memory_space<vmem>>
      %dma_start3A_195 = tpu.memref_squeeze %dma_start3A_194 : memref<1x128xi32, #tpu.memory_space<vmem>> -> memref<128xi32, #tpu.memory_space<vmem>>
      %dma_start3A_196 = arith.constant 0 : i32
      %dma_start3A_197 = arith.constant 0 : i32
      %dma_start3A_198 = tpu.memref_slice %arg3[%dma_start3A_196, %dma_start3A_197] : memref<100000x64xf32, #tpu.memory_space<hbm>> -> memref<100000x64xf32, #tpu.memory_space<hbm>>
      tpu.enqueue_indirect_dma source(%dma_start3A_198 : memref<100000x64xf32, #tpu.memory_space<hbm>>) target(%arg7 : memref<128x64xf32, #tpu.memory_space<vmem>>) offsets(%dma_start3A_195 : memref<128xi32, #tpu.memory_space<vmem>>) semaphore(%arg8 : memref<!tpu.dma_semaphore, #tpu.memory_space<semaphore_mem>>) {add = true}
      %mul3A_199 = arith.constant 10 : i32
      %mul3A_200 = arith.muli %scan3A_164, %mul3A_199 : i32
      %add3A_201 = arith.constant 2 : i32
      %add3A_202 = arith.addi %mul3A_200, %add3A_201 : i32
      %dma_start3A_203 = arith.constant 0 : i32
      %dma_start3A_204 = tpu.memref_slice %arg6[%add3A_202, %dma_start3A_203] : memref<200x128xi32, #tpu.memory_space<vmem>> -> memref<1x128xi32, #tpu.memory_space<vmem>>
      %dma_start3A_205 = tpu.memref_squeeze %dma_start3A_204 : memref<1x128xi32, #tpu.memory_space<vmem>> -> memref<128xi32, #tpu.memory_space<vmem>>
      %dma_start3A_206 = arith.constant 0 : i32
      %dma_start3A_207 = arith.constant 0 : i32
      %dma_start3A_208 = tpu.memref_slice %arg3[%dma_start3A_206, %dma_start3A_207] : memref<100000x64xf32, #tpu.memory_space<hbm>> -> memref<100000x64xf32, #tpu.memory_space<hbm>>
      tpu.enqueue_indirect_dma source(%dma_start3A_208 : memref<100000x64xf32, #tpu.memory_space<hbm>>) target(%arg7 : memref<128x64xf32, #tpu.memory_space<vmem>>) offsets(%dma_start3A_205 : memref<128xi32, #tpu.memory_space<vmem>>) semaphore(%arg8 : memref<!tpu.dma_semaphore, #tpu.memory_space<semaphore_mem>>) {add = true}
      %mul3A_209 = arith.constant 10 : i32
      %mul3A_210 = arith.muli %scan3A_164, %mul3A_209 : i32
      %add3A_211 = arith.constant 3 : i32
      %add3A_212 = arith.addi %mul3A_210, %add3A_211 : i32
      %dma_start3A_213 = arith.constant 0 : i32
      %dma_start3A_214 = tpu.memref_slice %arg6[%add3A_212, %dma_start3A_213] : memref<200x128xi32, #tpu.memory_space<vmem>> -> memref<1x128xi32, #tpu.memory_space<vmem>>
      %dma_start3A_215 = tpu.memref_squeeze %dma_start3A_214 : memref<1x128xi32, #tpu.memory_space<vmem>> -> memref<128xi32, #tpu.memory_space<vmem>>
      %dma_start3A_216 = arith.constant 0 : i32
      %dma_start3A_217 = arith.constant 0 : i32
      %dma_start3A_218 = tpu.memref_slice %arg3[%dma_start3A_216, %dma_start3A_217] : memref<100000x64xf32, #tpu.memory_space<hbm>> -> memref<100000x64xf32, #tpu.memory_space<hbm>>
      tpu.enqueue_indirect_dma source(%dma_start3A_218 : memref<100000x64xf32, #tpu.memory_space<hbm>>) target(%arg7 : memref<128x64xf32, #tpu.memory_space<vmem>>) offsets(%dma_start3A_215 : memref<128xi32, #tpu.memory_space<vmem>>) semaphore(%arg8 : memref<!tpu.dma_semaphore, #tpu.memory_space<semaphore_mem>>) {add = true}
      %mul3A_219 = arith.constant 10 : i32
      %mul3A_220 = arith.muli %scan3A_164, %mul3A_219 : i32
      %add3A_221 = arith.constant 4 : i32
      %add3A_222 = arith.addi %mul3A_220, %add3A_221 : i32
      %dma_start3A_223 = arith.constant 0 : i32
      %dma_start3A_224 = tpu.memref_slice %arg6[%add3A_222, %dma_start3A_223] : memref<200x128xi32, #tpu.memory_space<vmem>> -> memref<1x128xi32, #tpu.memory_space<vmem>>
      %dma_start3A_225 = tpu.memref_squeeze %dma_start3A_224 : memref<1x128xi32, #tpu.memory_space<vmem>> -> memref<128xi32, #tpu.memory_space<vmem>>
      %dma_start3A_226 = arith.constant 0 : i32
      %dma_start3A_227 = arith.constant 0 : i32
      %dma_start3A_228 = tpu.memref_slice %arg3[%dma_start3A_226, %dma_start3A_227] : memref<100000x64xf32, #tpu.memory_space<hbm>> -> memref<100000x64xf32, #tpu.memory_space<hbm>>
      tpu.enqueue_indirect_dma source(%dma_start3A_228 : memref<100000x64xf32, #tpu.memory_space<hbm>>) target(%arg7 : memref<128x64xf32, #tpu.memory_space<vmem>>) offsets(%dma_start3A_225 : memref<128xi32, #tpu.memory_space<vmem>>) semaphore(%arg8 : memref<!tpu.dma_semaphore, #tpu.memory_space<semaphore_mem>>) {add = true}
      %mul3A_229 = arith.constant 10 : i32
      %mul3A_230 = arith.muli %scan3A_164, %mul3A_229 : i32
      %add3A_231 = arith.constant 5 : i32
      %add3A_232 = arith.addi %mul3A_230, %add3A_231 : i32
      %dma_start3A_233 = arith.constant 0 : i32
      %dma_start3A_234 = tpu.memref_slice %arg6[%add3A_232, %dma_start3A_233] : memref<200x128xi32, #tpu.memory_space<vmem>> -> memref<1x128xi32, #tpu.memory_space<vmem>>
      %dma_start3A_235 = tpu.memref_squeeze %dma_start3A_234 : memref<1x128xi32, #tpu.memory_space<vmem>> -> memref<128xi32, #tpu.memory_space<vmem>>
      %dma_start3A_236 = arith.constant 0 : i32
      %dma_start3A_237 = arith.constant 0 : i32
      %dma_start3A_238 = tpu.memref_slice %arg3[%dma_start3A_236, %dma_start3A_237] : memref<100000x64xf32, #tpu.memory_space<hbm>> -> memref<100000x64xf32, #tpu.memory_space<hbm>>
      tpu.enqueue_indirect_dma source(%dma_start3A_238 : memref<100000x64xf32, #tpu.memory_space<hbm>>) target(%arg7 : memref<128x64xf32, #tpu.memory_space<vmem>>) offsets(%dma_start3A_235 : memref<128xi32, #tpu.memory_space<vmem>>) semaphore(%arg8 : memref<!tpu.dma_semaphore, #tpu.memory_space<semaphore_mem>>) {add = true}
      %mul3A_239 = arith.constant 10 : i32
      %mul3A_240 = arith.muli %scan3A_164, %mul3A_239 : i32
      %add3A_241 = arith.constant 6 : i32
      %add3A_242 = arith.addi %mul3A_240, %add3A_241 : i32
      %dma_start3A_243 = arith.constant 0 : i32
      %dma_start3A_244 = tpu.memref_slice %arg6[%add3A_242, %dma_start3A_243] : memref<200x128xi32, #tpu.memory_space<vmem>> -> memref<1x128xi32, #tpu.memory_space<vmem>>
      %dma_start3A_245 = tpu.memref_squeeze %dma_start3A_244 : memref<1x128xi32, #tpu.memory_space<vmem>> -> memref<128xi32, #tpu.memory_space<vmem>>
      %dma_start3A_246 = arith.constant 0 : i32
      %dma_start3A_247 = arith.constant 0 : i32
      %dma_start3A_248 = tpu.memref_slice %arg3[%dma_start3A_246, %dma_start3A_247] : memref<100000x64xf32, #tpu.memory_space<hbm>> -> memref<100000x64xf32, #tpu.memory_space<hbm>>
      tpu.enqueue_indirect_dma source(%dma_start3A_248 : memref<100000x64xf32, #tpu.memory_space<hbm>>) target(%arg7 : memref<128x64xf32, #tpu.memory_space<vmem>>) offsets(%dma_start3A_245 : memref<128xi32, #tpu.memory_space<vmem>>) semaphore(%arg8 : memref<!tpu.dma_semaphore, #tpu.memory_space<semaphore_mem>>) {add = true}
      %mul3A_249 = arith.constant 10 : i32
      %mul3A_250 = arith.muli %scan3A_164, %mul3A_249 : i32
      %add3A_251 = arith.constant 7 : i32
      %add3A_252 = arith.addi %mul3A_250, %add3A_251 : i32
      %dma_start3A_253 = arith.constant 0 : i32
      %dma_start3A_254 = tpu.memref_slice %arg6[%add3A_252, %dma_start3A_253] : memref<200x128xi32, #tpu.memory_space<vmem>> -> memref<1x128xi32, #tpu.memory_space<vmem>>
      %dma_start3A_255 = tpu.memref_squeeze %dma_start3A_254 : memref<1x128xi32, #tpu.memory_space<vmem>> -> memref<128xi32, #tpu.memory_space<vmem>>
      %dma_start3A_256 = arith.constant 0 : i32
      %dma_start3A_257 = arith.constant 0 : i32
      %dma_start3A_258 = tpu.memref_slice %arg3[%dma_start3A_256, %dma_start3A_257] : memref<100000x64xf32, #tpu.memory_space<hbm>> -> memref<100000x64xf32, #tpu.memory_space<hbm>>
      tpu.enqueue_indirect_dma source(%dma_start3A_258 : memref<100000x64xf32, #tpu.memory_space<hbm>>) target(%arg7 : memref<128x64xf32, #tpu.memory_space<vmem>>) offsets(%dma_start3A_255 : memref<128xi32, #tpu.memory_space<vmem>>) semaphore(%arg8 : memref<!tpu.dma_semaphore, #tpu.memory_space<semaphore_mem>>) {add = true}
      %mul3A_259 = arith.constant 10 : i32
      %mul3A_260 = arith.muli %scan3A_164, %mul3A_259 : i32
      %add3A_261 = arith.constant 8 : i32
      %add3A_262 = arith.addi %mul3A_260, %add3A_261 : i32
      %dma_start3A_263 = arith.constant 0 : i32
      %dma_start3A_264 = tpu.memref_slice %arg6[%add3A_262, %dma_start3A_263] : memref<200x128xi32, #tpu.memory_space<vmem>> -> memref<1x128xi32, #tpu.memory_space<vmem>>
      %dma_start3A_265 = tpu.memref_squeeze %dma_start3A_264 : memref<1x128xi32, #tpu.memory_space<vmem>> -> memref<128xi32, #tpu.memory_space<vmem>>
      %dma_start3A_266 = arith.constant 0 : i32
      %dma_start3A_267 = arith.constant 0 : i32
      %dma_start3A_268 = tpu.memref_slice %arg3[%dma_start3A_266, %dma_start3A_267] : memref<100000x64xf32, #tpu.memory_space<hbm>> -> memref<100000x64xf32, #tpu.memory_space<hbm>>
      tpu.enqueue_indirect_dma source(%dma_start3A_268 : memref<100000x64xf32, #tpu.memory_space<hbm>>) target(%arg7 : memref<128x64xf32, #tpu.memory_space<vmem>>) offsets(%dma_start3A_265 : memref<128xi32, #tpu.memory_space<vmem>>) semaphore(%arg8 : memref<!tpu.dma_semaphore, #tpu.memory_space<semaphore_mem>>) {add = true}
      %mul3A_269 = arith.constant 10 : i32
      %mul3A_270 = arith.muli %scan3A_164, %mul3A_269 : i32
      %add3A_271 = arith.constant 9 : i32
      %add3A_272 = arith.addi %mul3A_270, %add3A_271 : i32
      %dma_start3A_273 = arith.constant 0 : i32
      %dma_start3A_274 = tpu.memref_slice %arg6[%add3A_272, %dma_start3A_273] : memref<200x128xi32, #tpu.memory_space<vmem>> -> memref<1x128xi32, #tpu.memory_space<vmem>>
      %dma_start3A_275 = tpu.memref_squeeze %dma_start3A_274 : memref<1x128xi32, #tpu.memory_space<vmem>> -> memref<128xi32, #tpu.memory_space<vmem>>
      %dma_start3A_276 = arith.constant 0 : i32
      %dma_start3A_277 = arith.constant 0 : i32
      %dma_start3A_278 = tpu.memref_slice %arg3[%dma_start3A_276, %dma_start3A_277] : memref<100000x64xf32, #tpu.memory_space<hbm>> -> memref<100000x64xf32, #tpu.memory_space<hbm>>
      tpu.enqueue_indirect_dma source(%dma_start3A_278 : memref<100000x64xf32, #tpu.memory_space<hbm>>) target(%arg7 : memref<128x64xf32, #tpu.memory_space<vmem>>) offsets(%dma_start3A_275 : memref<128xi32, #tpu.memory_space<vmem>>) semaphore(%arg8 : memref<!tpu.dma_semaphore, #tpu.memory_space<semaphore_mem>>) {add = true}
      %dma_wait3A_279 = arith.constant 0 : i32
      %dma_wait3A_280 = tpu.memref_slice %arg6[%add3A_182, %dma_wait3A_279] : memref<200x128xi32, #tpu.memory_space<vmem>> -> memref<1x128xi32, #tpu.memory_space<vmem>>
      %dma_wait3A_281 = tpu.memref_squeeze %dma_wait3A_280 : memref<1x128xi32, #tpu.memory_space<vmem>> -> memref<128xi32, #tpu.memory_space<vmem>>
      %dma_wait3A_282 = arith.constant 0 : i32
      %dma_wait3A_283 = arith.constant 0 : i32
      %dma_wait3A_284 = tpu.memref_slice %arg3[%dma_wait3A_282, %dma_wait3A_283] : memref<100000x64xf32, #tpu.memory_space<hbm>> -> memref<100000x64xf32, #tpu.memory_space<hbm>>
      tpu.wait_indirect_dma semaphore(%arg8 : memref<!tpu.dma_semaphore, #tpu.memory_space<semaphore_mem>>) src(%dma_wait3A_284 : memref<100000x64xf32, #tpu.memory_space<hbm>>) dst(%arg7 : memref<128x64xf32, #tpu.memory_space<vmem>>)
      %dma_wait3A_285 = arith.constant 0 : i32
      %dma_wait3A_286 = tpu.memref_slice %arg6[%add3A_192, %dma_wait3A_285] : memref<200x128xi32, #tpu.memory_space<vmem>> -> memref<1x128xi32, #tpu.memory_space<vmem>>
      %dma_wait3A_287 = tpu.memref_squeeze %dma_wait3A_286 : memref<1x128xi32, #tpu.memory_space<vmem>> -> memref<128xi32, #tpu.memory_space<vmem>>
      %dma_wait3A_288 = arith.constant 0 : i32
      %dma_wait3A_289 = arith.constant 0 : i32
      %dma_wait3A_290 = tpu.memref_slice %arg3[%dma_wait3A_288, %dma_wait3A_289] : memref<100000x64xf32, #tpu.memory_space<hbm>> -> memref<100000x64xf32, #tpu.memory_space<hbm>>
      tpu.wait_indirect_dma semaphore(%arg8 : memref<!tpu.dma_semaphore, #tpu.memory_space<semaphore_mem>>) src(%dma_wait3A_290 : memref<100000x64xf32, #tpu.memory_space<hbm>>) dst(%arg7 : memref<128x64xf32, #tpu.memory_space<vmem>>)
      %dma_wait3A_291 = arith.constant 0 : i32
      %dma_wait3A_292 = tpu.memref_slice %arg6[%add3A_202, %dma_wait3A_291] : memref<200x128xi32, #tpu.memory_space<vmem>> -> memref<1x128xi32, #tpu.memory_space<vmem>>
      %dma_wait3A_293 = tpu.memref_squeeze %dma_wait3A_292 : memref<1x128xi32, #tpu.memory_space<vmem>> -> memref<128xi32, #tpu.memory_space<vmem>>
      %dma_wait3A_294 = arith.constant 0 : i32
      %dma_wait3A_295 = arith.constant 0 : i32
      %dma_wait3A_296 = tpu.memref_slice %arg3[%dma_wait3A_294, %dma_wait3A_295] : memref<100000x64xf32, #tpu.memory_space<hbm>> -> memref<100000x64xf32, #tpu.memory_space<hbm>>
      tpu.wait_indirect_dma semaphore(%arg8 : memref<!tpu.dma_semaphore, #tpu.memory_space<semaphore_mem>>) src(%dma_wait3A_296 : memref<100000x64xf32, #tpu.memory_space<hbm>>) dst(%arg7 : memref<128x64xf32, #tpu.memory_space<vmem>>)
      %dma_wait3A_297 = arith.constant 0 : i32
      %dma_wait3A_298 = tpu.memref_slice %arg6[%add3A_212, %dma_wait3A_297] : memref<200x128xi32, #tpu.memory_space<vmem>> -> memref<1x128xi32, #tpu.memory_space<vmem>>
      %dma_wait3A_299 = tpu.memref_squeeze %dma_wait3A_298 : memref<1x128xi32, #tpu.memory_space<vmem>> -> memref<128xi32, #tpu.memory_space<vmem>>
      %dma_wait3A_300 = arith.constant 0 : i32
      %dma_wait3A_301 = arith.constant 0 : i32
      %dma_wait3A_302 = tpu.memref_slice %arg3[%dma_wait3A_300, %dma_wait3A_301] : memref<100000x64xf32, #tpu.memory_space<hbm>> -> memref<100000x64xf32, #tpu.memory_space<hbm>>
      tpu.wait_indirect_dma semaphore(%arg8 : memref<!tpu.dma_semaphore, #tpu.memory_space<semaphore_mem>>) src(%dma_wait3A_302 : memref<100000x64xf32, #tpu.memory_space<hbm>>) dst(%arg7 : memref<128x64xf32, #tpu.memory_space<vmem>>)
      %dma_wait3A_303 = arith.constant 0 : i32
      %dma_wait3A_304 = tpu.memref_slice %arg6[%add3A_222, %dma_wait3A_303] : memref<200x128xi32, #tpu.memory_space<vmem>> -> memref<1x128xi32, #tpu.memory_space<vmem>>
      %dma_wait3A_305 = tpu.memref_squeeze %dma_wait3A_304 : memref<1x128xi32, #tpu.memory_space<vmem>> -> memref<128xi32, #tpu.memory_space<vmem>>
      %dma_wait3A_306 = arith.constant 0 : i32
      %dma_wait3A_307 = arith.constant 0 : i32
      %dma_wait3A_308 = tpu.memref_slice %arg3[%dma_wait3A_306, %dma_wait3A_307] : memref<100000x64xf32, #tpu.memory_space<hbm>> -> memref<100000x64xf32, #tpu.memory_space<hbm>>
      tpu.wait_indirect_dma semaphore(%arg8 : memref<!tpu.dma_semaphore, #tpu.memory_space<semaphore_mem>>) src(%dma_wait3A_308 : memref<100000x64xf32, #tpu.memory_space<hbm>>) dst(%arg7 : memref<128x64xf32, #tpu.memory_space<vmem>>)
      %dma_wait3A_309 = arith.constant 0 : i32
      %dma_wait3A_310 = tpu.memref_slice %arg6[%add3A_232, %dma_wait3A_309] : memref<200x128xi32, #tpu.memory_space<vmem>> -> memref<1x128xi32, #tpu.memory_space<vmem>>
      %dma_wait3A_311 = tpu.memref_squeeze %dma_wait3A_310 : memref<1x128xi32, #tpu.memory_space<vmem>> -> memref<128xi32, #tpu.memory_space<vmem>>
      %dma_wait3A_312 = arith.constant 0 : i32
      %dma_wait3A_313 = arith.constant 0 : i32
      %dma_wait3A_314 = tpu.memref_slice %arg3[%dma_wait3A_312, %dma_wait3A_313] : memref<100000x64xf32, #tpu.memory_space<hbm>> -> memref<100000x64xf32, #tpu.memory_space<hbm>>
      tpu.wait_indirect_dma semaphore(%arg8 : memref<!tpu.dma_semaphore, #tpu.memory_space<semaphore_mem>>) src(%dma_wait3A_314 : memref<100000x64xf32, #tpu.memory_space<hbm>>) dst(%arg7 : memref<128x64xf32, #tpu.memory_space<vmem>>)
      %dma_wait3A_315 = arith.constant 0 : i32
      %dma_wait3A_316 = tpu.memref_slice %arg6[%add3A_242, %dma_wait3A_315] : memref<200x128xi32, #tpu.memory_space<vmem>> -> memref<1x128xi32, #tpu.memory_space<vmem>>
      %dma_wait3A_317 = tpu.memref_squeeze %dma_wait3A_316 : memref<1x128xi32, #tpu.memory_space<vmem>> -> memref<128xi32, #tpu.memory_space<vmem>>
      %dma_wait3A_318 = arith.constant 0 : i32
      %dma_wait3A_319 = arith.constant 0 : i32
      %dma_wait3A_320 = tpu.memref_slice %arg3[%dma_wait3A_318, %dma_wait3A_319] : memref<100000x64xf32, #tpu.memory_space<hbm>> -> memref<100000x64xf32, #tpu.memory_space<hbm>>
      tpu.wait_indirect_dma semaphore(%arg8 : memref<!tpu.dma_semaphore, #tpu.memory_space<semaphore_mem>>) src(%dma_wait3A_320 : memref<100000x64xf32, #tpu.memory_space<hbm>>) dst(%arg7 : memref<128x64xf32, #tpu.memory_space<vmem>>)
      %dma_wait3A_321 = arith.constant 0 : i32
      %dma_wait3A_322 = tpu.memref_slice %arg6[%add3A_252, %dma_wait3A_321] : memref<200x128xi32, #tpu.memory_space<vmem>> -> memref<1x128xi32, #tpu.memory_space<vmem>>
      %dma_wait3A_323 = tpu.memref_squeeze %dma_wait3A_322 : memref<1x128xi32, #tpu.memory_space<vmem>> -> memref<128xi32, #tpu.memory_space<vmem>>
      %dma_wait3A_324 = arith.constant 0 : i32
      %dma_wait3A_325 = arith.constant 0 : i32
      %dma_wait3A_326 = tpu.memref_slice %arg3[%dma_wait3A_324, %dma_wait3A_325] : memref<100000x64xf32, #tpu.memory_space<hbm>> -> memref<100000x64xf32, #tpu.memory_space<hbm>>
      tpu.wait_indirect_dma semaphore(%arg8 : memref<!tpu.dma_semaphore, #tpu.memory_space<semaphore_mem>>) src(%dma_wait3A_326 : memref<100000x64xf32, #tpu.memory_space<hbm>>) dst(%arg7 : memref<128x64xf32, #tpu.memory_space<vmem>>)
      %dma_wait3A_327 = arith.constant 0 : i32
      %dma_wait3A_328 = tpu.memref_slice %arg6[%add3A_262, %dma_wait3A_327] : memref<200x128xi32, #tpu.memory_space<vmem>> -> memref<1x128xi32, #tpu.memory_space<vmem>>
      %dma_wait3A_329 = tpu.memref_squeeze %dma_wait3A_328 : memref<1x128xi32, #tpu.memory_space<vmem>> -> memref<128xi32, #tpu.memory_space<vmem>>
      %dma_wait3A_330 = arith.constant 0 : i32
      %dma_wait3A_331 = arith.constant 0 : i32
      %dma_wait3A_332 = tpu.memref_slice %arg3[%dma_wait3A_330, %dma_wait3A_331] : memref<100000x64xf32, #tpu.memory_space<hbm>> -> memref<100000x64xf32, #tpu.memory_space<hbm>>
      tpu.wait_indirect_dma semaphore(%arg8 : memref<!tpu.dma_semaphore, #tpu.memory_space<semaphore_mem>>) src(%dma_wait3A_332 : memref<100000x64xf32, #tpu.memory_space<hbm>>) dst(%arg7 : memref<128x64xf32, #tpu.memory_space<vmem>>)
      %dma_wait3A_333 = arith.constant 0 : i32
      %dma_wait3A_334 = tpu.memref_slice %arg6[%add3A_272, %dma_wait3A_333] : memref<200x128xi32, #tpu.memory_space<vmem>> -> memref<1x128xi32, #tpu.memory_space<vmem>>
      %dma_wait3A_335 = tpu.memref_squeeze %dma_wait3A_334 : memref<1x128xi32, #tpu.memory_space<vmem>> -> memref<128xi32, #tpu.memory_space<vmem>>
      %dma_wait3A_336 = arith.constant 0 : i32
      %dma_wait3A_337 = arith.constant 0 : i32
      %dma_wait3A_338 = tpu.memref_slice %arg3[%dma_wait3A_336, %dma_wait3A_337] : memref<100000x64xf32, #tpu.memory_space<hbm>> -> memref<100000x64xf32, #tpu.memory_space<hbm>>
      tpu.wait_indirect_dma semaphore(%arg8 : memref<!tpu.dma_semaphore, #tpu.memory_space<semaphore_mem>>) src(%dma_wait3A_338 : memref<100000x64xf32, #tpu.memory_space<hbm>>) dst(%arg7 : memref<128x64xf32, #tpu.memory_space<vmem>>)
    }
    %scan3A_92 = arith.constant 19 : i32
    %dma_wait3A = arith.constant 0 : i32
    %dma_wait3A_93 = arith.constant 0 : i32
    %dma_wait3A_94 = tpu.memref_slice %arg6[%dma_wait3A, %dma_wait3A_93] : memref<200x128xi32, #tpu.memory_space<vmem>> -> memref<1x128xi32, #tpu.memory_space<vmem>>
    %dma_wait3A_95 = tpu.memref_squeeze %dma_wait3A_94 : memref<1x128xi32, #tpu.memory_space<vmem>> -> memref<128xi32, #tpu.memory_space<vmem>>
    %dma_wait3A_96 = arith.constant 0 : i32
    %dma_wait3A_97 = arith.constant 0 : i32
    %dma_wait3A_98 = tpu.memref_slice %arg3[%dma_wait3A_96, %dma_wait3A_97] : memref<100000x64xf32, #tpu.memory_space<hbm>> -> memref<100000x64xf32, #tpu.memory_space<hbm>>
    tpu.wait_indirect_dma semaphore(%arg8 : memref<!tpu.dma_semaphore, #tpu.memory_space<semaphore_mem>>) src(%dma_wait3A_98 : memref<100000x64xf32, #tpu.memory_space<hbm>>) dst(%arg7 : memref<128x64xf32, #tpu.memory_space<vmem>>)
    %dma_wait3A_99 = arith.constant 0 : i32
    %dma_wait3A_100 = arith.constant 0 : i32
    %dma_wait3A_101 = tpu.memref_slice %arg6[%dma_wait3A_99, %dma_wait3A_100] : memref<200x128xi32, #tpu.memory_space<vmem>> -> memref<1x128xi32, #tpu.memory_space<vmem>>
    %dma_wait3A_102 = tpu.memref_squeeze %dma_wait3A_101 : memref<1x128xi32, #tpu.memory_space<vmem>> -> memref<128xi32, #tpu.memory_space<vmem>>
    %dma_wait3A_103 = arith.constant 0 : i32
    %dma_wait3A_104 = arith.constant 0 : i32
    %dma_wait3A_105 = tpu.memref_slice %arg3[%dma_wait3A_103, %dma_wait3A_104] : memref<100000x64xf32, #tpu.memory_space<hbm>> -> memref<100000x64xf32, #tpu.memory_space<hbm>>
    tpu.wait_indirect_dma semaphore(%arg8 : memref<!tpu.dma_semaphore, #tpu.memory_space<semaphore_mem>>) src(%dma_wait3A_105 : memref<100000x64xf32, #tpu.memory_space<hbm>>) dst(%arg7 : memref<128x64xf32, #tpu.memory_space<vmem>>)
    %dma_wait3A_106 = arith.constant 0 : i32
    %dma_wait3A_107 = arith.constant 0 : i32
    %dma_wait3A_108 = tpu.memref_slice %arg6[%dma_wait3A_106, %dma_wait3A_107] : memref<200x128xi32, #tpu.memory_space<vmem>> -> memref<1x128xi32, #tpu.memory_space<vmem>>
    %dma_wait3A_109 = tpu.memref_squeeze %dma_wait3A_108 : memref<1x128xi32, #tpu.memory_space<vmem>> -> memref<128xi32, #tpu.memory_space<vmem>>
    %dma_wait3A_110 = arith.constant 0 : i32
    %dma_wait3A_111 = arith.constant 0 : i32
    %dma_wait3A_112 = tpu.memref_slice %arg3[%dma_wait3A_110, %dma_wait3A_111] : memref<100000x64xf32, #tpu.memory_space<hbm>> -> memref<100000x64xf32, #tpu.memory_space<hbm>>
    tpu.wait_indirect_dma semaphore(%arg8 : memref<!tpu.dma_semaphore, #tpu.memory_space<semaphore_mem>>) src(%dma_wait3A_112 : memref<100000x64xf32, #tpu.memory_space<hbm>>) dst(%arg7 : memref<128x64xf32, #tpu.memory_space<vmem>>)
    %dma_wait3A_113 = arith.constant 0 : i32
    %dma_wait3A_114 = arith.constant 0 : i32
    %dma_wait3A_115 = tpu.memref_slice %arg6[%dma_wait3A_113, %dma_wait3A_114] : memref<200x128xi32, #tpu.memory_space<vmem>> -> memref<1x128xi32, #tpu.memory_space<vmem>>
    %dma_wait3A_116 = tpu.memref_squeeze %dma_wait3A_115 : memref<1x128xi32, #tpu.memory_space<vmem>> -> memref<128xi32, #tpu.memory_space<vmem>>
    %dma_wait3A_117 = arith.constant 0 : i32
    %dma_wait3A_118 = arith.constant 0 : i32
    %dma_wait3A_119 = tpu.memref_slice %arg3[%dma_wait3A_117, %dma_wait3A_118] : memref<100000x64xf32, #tpu.memory_space<hbm>> -> memref<100000x64xf32, #tpu.memory_space<hbm>>
    tpu.wait_indirect_dma semaphore(%arg8 : memref<!tpu.dma_semaphore, #tpu.memory_space<semaphore_mem>>) src(%dma_wait3A_119 : memref<100000x64xf32, #tpu.memory_space<hbm>>) dst(%arg7 : memref<128x64xf32, #tpu.memory_space<vmem>>)
    %dma_wait3A_120 = arith.constant 0 : i32
    %dma_wait3A_121 = arith.constant 0 : i32
    %dma_wait3A_122 = tpu.memref_slice %arg6[%dma_wait3A_120, %dma_wait3A_121] : memref<200x128xi32, #tpu.memory_space<vmem>> -> memref<1x128xi32, #tpu.memory_space<vmem>>
    %dma_wait3A_123 = tpu.memref_squeeze %dma_wait3A_122 : memref<1x128xi32, #tpu.memory_space<vmem>> -> memref<128xi32, #tpu.memory_space<vmem>>
    %dma_wait3A_124 = arith.constant 0 : i32
    %dma_wait3A_125 = arith.constant 0 : i32
    %dma_wait3A_126 = tpu.memref_slice %arg3[%dma_wait3A_124, %dma_wait3A_125] : memref<100000x64xf32, #tpu.memory_space<hbm>> -> memref<100000x64xf32, #tpu.memory_space<hbm>>
    tpu.wait_indirect_dma semaphore(%arg8 : memref<!tpu.dma_semaphore, #tpu.memory_space<semaphore_mem>>) src(%dma_wait3A_126 : memref<100000x64xf32, #tpu.memory_space<hbm>>) dst(%arg7 : memref<128x64xf32, #tpu.memory_space<vmem>>)
    %dma_wait3A_127 = arith.constant 0 : i32
    %dma_wait3A_128 = arith.constant 0 : i32
    %dma_wait3A_129 = tpu.memref_slice %arg6[%dma_wait3A_127, %dma_wait3A_128] : memref<200x128xi32, #tpu.memory_space<vmem>> -> memref<1x128xi32, #tpu.memory_space<vmem>>
    %dma_wait3A_130 = tpu.memref_squeeze %dma_wait3A_129 : memref<1x128xi32, #tpu.memory_space<vmem>> -> memref<128xi32, #tpu.memory_space<vmem>>
    %dma_wait3A_131 = arith.constant 0 : i32
    %dma_wait3A_132 = arith.constant 0 : i32
    %dma_wait3A_133 = tpu.memref_slice %arg3[%dma_wait3A_131, %dma_wait3A_132] : memref<100000x64xf32, #tpu.memory_space<hbm>> -> memref<100000x64xf32, #tpu.memory_space<hbm>>
    tpu.wait_indirect_dma semaphore(%arg8 : memref<!tpu.dma_semaphore, #tpu.memory_space<semaphore_mem>>) src(%dma_wait3A_133 : memref<100000x64xf32, #tpu.memory_space<hbm>>) dst(%arg7 : memref<128x64xf32, #tpu.memory_space<vmem>>)
    %dma_wait3A_134 = arith.constant 0 : i32
    %dma_wait3A_135 = arith.constant 0 : i32
    %dma_wait3A_136 = tpu.memref_slice %arg6[%dma_wait3A_134, %dma_wait3A_135] : memref<200x128xi32, #tpu.memory_space<vmem>> -> memref<1x128xi32, #tpu.memory_space<vmem>>
    %dma_wait3A_137 = tpu.memref_squeeze %dma_wait3A_136 : memref<1x128xi32, #tpu.memory_space<vmem>> -> memref<128xi32, #tpu.memory_space<vmem>>
    %dma_wait3A_138 = arith.constant 0 : i32
    %dma_wait3A_139 = arith.constant 0 : i32
    %dma_wait3A_140 = tpu.memref_slice %arg3[%dma_wait3A_138, %dma_wait3A_139] : memref<100000x64xf32, #tpu.memory_space<hbm>> -> memref<100000x64xf32, #tpu.memory_space<hbm>>
    tpu.wait_indirect_dma semaphore(%arg8 : memref<!tpu.dma_semaphore, #tpu.memory_space<semaphore_mem>>) src(%dma_wait3A_140 : memref<100000x64xf32, #tpu.memory_space<hbm>>) dst(%arg7 : memref<128x64xf32, #tpu.memory_space<vmem>>)
    %dma_wait3A_141 = arith.constant 0 : i32
    %dma_wait3A_142 = arith.constant 0 : i32
    %dma_wait3A_143 = tpu.memref_slice %arg6[%dma_wait3A_141, %dma_wait3A_142] : memref<200x128xi32, #tpu.memory_space<vmem>> -> memref<1x128xi32, #tpu.memory_space<vmem>>
    %dma_wait3A_144 = tpu.memref_squeeze %dma_wait3A_143 : memref<1x128xi32, #tpu.memory_space<vmem>> -> memref<128xi32, #tpu.memory_space<vmem>>
    %dma_wait3A_145 = arith.constant 0 : i32
    %dma_wait3A_146 = arith.constant 0 : i32
    %dma_wait3A_147 = tpu.memref_slice %arg3[%dma_wait3A_145, %dma_wait3A_146] : memref<100000x64xf32, #tpu.memory_space<hbm>> -> memref<100000x64xf32, #tpu.memory_space<hbm>>
    tpu.wait_indirect_dma semaphore(%arg8 : memref<!tpu.dma_semaphore, #tpu.memory_space<semaphore_mem>>) src(%dma_wait3A_147 : memref<100000x64xf32, #tpu.memory_space<hbm>>) dst(%arg7 : memref<128x64xf32, #tpu.memory_space<vmem>>)
    %dma_wait3A_148 = arith.constant 0 : i32
    %dma_wait3A_149 = arith.constant 0 : i32
    %dma_wait3A_150 = tpu.memref_slice %arg6[%dma_wait3A_148, %dma_wait3A_149] : memref<200x128xi32, #tpu.memory_space<vmem>> -> memref<1x128xi32, #tpu.memory_space<vmem>>
    %dma_wait3A_151 = tpu.memref_squeeze %dma_wait3A_150 : memref<1x128xi32, #tpu.memory_space<vmem>> -> memref<128xi32, #tpu.memory_space<vmem>>
    %dma_wait3A_152 = arith.constant 0 : i32
    %dma_wait3A_153 = arith.constant 0 : i32
    %dma_wait3A_154 = tpu.memref_slice %arg3[%dma_wait3A_152, %dma_wait3A_153] : memref<100000x64xf32, #tpu.memory_space<hbm>> -> memref<100000x64xf32, #tpu.memory_space<hbm>>
    tpu.wait_indirect_dma semaphore(%arg8 : memref<!tpu.dma_semaphore, #tpu.memory_space<semaphore_mem>>) src(%dma_wait3A_154 : memref<100000x64xf32, #tpu.memory_space<hbm>>) dst(%arg7 : memref<128x64xf32, #tpu.memory_space<vmem>>)
    %dma_wait3A_155 = arith.constant 0 : i32
    %dma_wait3A_156 = arith.constant 0 : i32
    %dma_wait3A_157 = tpu.memref_slice %arg6[%dma_wait3A_155, %dma_wait3A_156] : memref<200x128xi32, #tpu.memory_space<vmem>> -> memref<1x128xi32, #tpu.memory_space<vmem>>
    %dma_wait3A_158 = tpu.memref_squeeze %dma_wait3A_157 : memref<1x128xi32, #tpu.memory_space<vmem>> -> memref<128xi32, #tpu.memory_space<vmem>>
    %dma_wait3A_159 = arith.constant 0 : i32
    %dma_wait3A_160 = arith.constant 0 : i32
    %dma_wait3A_161 = tpu.memref_slice %arg3[%dma_wait3A_159, %dma_wait3A_160] : memref<100000x64xf32, #tpu.memory_space<hbm>> -> memref<100000x64xf32, #tpu.memory_space<hbm>>
    tpu.wait_indirect_dma semaphore(%arg8 : memref<!tpu.dma_semaphore, #tpu.memory_space<semaphore_mem>>) src(%dma_wait3A_161 : memref<100000x64xf32, #tpu.memory_space<hbm>>) dst(%arg7 : memref<128x64xf32, #tpu.memory_space<vmem>>)
    %mul3A_162 = arith.constant 128 : i32
    %mul3A_163 = arith.muli %add3A, %mul3A_162 : i32
    "tpu.region"() ({
      %run_scoped3A = tpu.sem_alloc : memref<!tpu.dma_semaphore, #tpu.memory_space<semaphore_mem>>
      %dma_start3A_164 = arith.constant 0 : i32
      %dma_start3A_165 = tpu.memref_slice %arg4[%mul3A_163, %dma_start3A_164] : memref<4096x64xf32, #tpu.memory_space<hbm>> -> memref<128x64xf32, #tpu.memory_space<hbm>>
      %dma_start3A_166 = arith.constant 0 : i32
      %dma_start3A_167 = tpu.memref_slice %arg4[%mul3A_163, %dma_start3A_166] : memref<4096x64xf32, #tpu.memory_space<hbm>> -> memref<128x64xf32, #tpu.memory_space<hbm>>
      tpu.enqueue_dma source(%arg7 : memref<128x64xf32, #tpu.memory_space<vmem>>) target(%dma_start3A_167 : memref<128x64xf32, #tpu.memory_space<hbm>>) target_semaphore(%run_scoped3A : memref<!tpu.dma_semaphore, #tpu.memory_space<semaphore_mem>>)
      %dma_wait3A_168 = arith.constant 0 : i32
      %dma_wait3A_169 = tpu.memref_slice %arg4[%mul3A_163, %dma_wait3A_168] : memref<4096x64xf32, #tpu.memory_space<hbm>> -> memref<128x64xf32, #tpu.memory_space<hbm>>
      %dma_wait3A_170 = arith.constant 0 : i32
      %dma_wait3A_171 = tpu.memref_slice %arg4[%mul3A_163, %dma_wait3A_170] : memref<4096x64xf32, #tpu.memory_space<hbm>> -> memref<128x64xf32, #tpu.memory_space<hbm>>
      tpu.wait_dma2 semaphore(%run_scoped3A : memref<!tpu.dma_semaphore, #tpu.memory_space<semaphore_mem>>) src(%arg7 : memref<128x64xf32, #tpu.memory_space<vmem>>) dst(%dma_wait3A_171 : memref<128x64xf32, #tpu.memory_space<hbm>>)
      tpu.yield
    }) : () -> ()
    return
  }
}

module attributes {stable_mosaic.version = 14 : i64} {
  func.func @body(%arg0: i32, %arg1: memref<512x64xf32, #tpu.memory_space<vmem>>, %arg2: memref<512x200xi32, #tpu.memory_space<vmem>>, %arg3: memref<64x64xf32, #tpu.memory_space<vmem>>, %arg4: memref<1x64xf32, #tpu.memory_space<vmem>>, %arg5: memref<64x256xf32, #tpu.memory_space<vmem>>, %arg6: memref<1x256xf32, #tpu.memory_space<vmem>>, %arg7: memref<256x128xf32, #tpu.memory_space<vmem>>, %arg8: memref<1x128xf32, #tpu.memory_space<vmem>>, %arg9: memref<1x128xf32, #tpu.memory_space<vmem>>, %arg10: memref<1x1xf32, #tpu.memory_space<vmem>>, %arg11: memref<512x1xf32, #tpu.memory_space<vmem>>) attributes {dimension_semantics = [#tpu.dimension_semantics<arbitrary>], iteration_bounds = array<i64: 8>, scalar_prefetch = 0 : i64, scratch_operands = 0 : i64, tpu.core_type = #tpu.core_type<tc>, window_params = [{transform_indices = @transform_0, window_bounds = array<i64: 512, 64>}, {transform_indices = @transform_1, window_bounds = array<i64: 512, 200>}, {pipeline_mode = #tpu.pipeline_mode<synchronous>, transform_indices = @transform_2, window_bounds = array<i64: 64, 64>}, {pipeline_mode = #tpu.pipeline_mode<synchronous>, transform_indices = @transform_3, window_bounds = array<i64: 1, 64>}, {pipeline_mode = #tpu.pipeline_mode<synchronous>, transform_indices = @transform_4, window_bounds = array<i64: 64, 256>}, {pipeline_mode = #tpu.pipeline_mode<synchronous>, transform_indices = @transform_5, window_bounds = array<i64: 1, 256>}, {pipeline_mode = #tpu.pipeline_mode<synchronous>, transform_indices = @transform_6, window_bounds = array<i64: 256, 128>}, {pipeline_mode = #tpu.pipeline_mode<synchronous>, transform_indices = @transform_7, window_bounds = array<i64: 1, 128>}, {pipeline_mode = #tpu.pipeline_mode<synchronous>, transform_indices = @transform_8, window_bounds = array<i64: 1, 128>}, {pipeline_mode = #tpu.pipeline_mode<synchronous>, transform_indices = @transform_9, window_bounds = array<i64: 1, 1>}, {transform_indices = @transform_10, window_bounds = array<i64: 512, 1>}]} {
    %get3A = arith.constant 0 : index
    %get3A_0 = arith.constant 0 : index
    %get3A_1 = vector.load %arg2[%get3A, %get3A_0] : memref<512x200xi32, #tpu.memory_space<vmem>>, vector<512x200xi32>
    %ne3A = arith.constant 50256 : i32
    %ne3A_2 = vector.broadcast %ne3A : i32 to vector<512x200xi32>
    %ne3A_3 = arith.cmpi ne, %get3A_1, %ne3A_2 : vector<512x200xi32>
    %convert_element_type3A = arith.extui %ne3A_3 : vector<512x200xi1> to vector<512x200xi32>
    %convert_element_type3A_4 = arith.sitofp %convert_element_type3A : vector<512x200xi32> to vector<512x200xf32>
    %reduce_sum3A = arith.constant dense<0.000000e+00> : vector<512xf32>
    %reduce_sum3A_5 = vector.multi_reduction <add>, %convert_element_type3A_4, %reduce_sum3A [1] : vector<512x200xf32> to vector<512xf32>
    %broadcast_in_dim3A = vector.shape_cast %reduce_sum3A_5 : vector<512xf32> to vector<512x1xf32>
    %get3A_6 = arith.constant 0 : index
    %get3A_7 = arith.constant 0 : index
    %get3A_8 = vector.load %arg1[%get3A_6, %get3A_7] : memref<512x64xf32, #tpu.memory_space<vmem>>, vector<512x64xf32>
    %max3A = arith.constant 1.000000e+00 : f32
    %max3A_9 = vector.broadcast %max3A : f32 to vector<512x1xf32>
    %max3A_10 = arith.maximumf %broadcast_in_dim3A, %max3A_9 : vector<512x1xf32>
    %div3A = vector.broadcast %max3A_10 : vector<512x1xf32> to vector<512x64xf32>
    %div3A_11 = arith.divf %get3A_8, %div3A : vector<512x64xf32>
    %get3A_12 = arith.constant 0 : index
    %get3A_13 = arith.constant 0 : index
    %get3A_14 = vector.load %arg3[%get3A_12, %get3A_13] : memref<64x64xf32, #tpu.memory_space<vmem>>, vector<64x64xf32>
    %dot_general3A = arith.constant dense<0.000000e+00> : vector<512x64xf32>
    %dot_general3A_15 = tpu.matmul %div3A_11, %get3A_14, %dot_general3A {dimension_numbers = #tpu.dot_dimension_numbers<[1], [0], [0], [1], [0, 0, 1, 1], [], []>, transpose_lhs_hint = false} : vector<512x64xf32>, vector<64x64xf32>, vector<512x64xf32> -> vector<512x64xf32>
    %get3A_16 = arith.constant 0 : index
    %get3A_17 = arith.constant 0 : index
    %get3A_18 = vector.load %arg4[%get3A_16, %get3A_17] : memref<1x64xf32, #tpu.memory_space<vmem>>, vector<1x64xf32>
    %add3A = vector.broadcast %get3A_18 : vector<1x64xf32> to vector<512x64xf32>
    %add3A_19 = arith.addf %dot_general3A_15, %add3A : vector<512x64xf32>
    %get3A_20 = arith.constant 0 : index
    %get3A_21 = arith.constant 0 : index
    %get3A_22 = vector.load %arg5[%get3A_20, %get3A_21] : memref<64x256xf32, #tpu.memory_space<vmem>>, vector<64x256xf32>
    %dot_general3A_23 = arith.constant dense<0.000000e+00> : vector<512x256xf32>
    %dot_general3A_24 = tpu.matmul %add3A_19, %get3A_22, %dot_general3A_23 {dimension_numbers = #tpu.dot_dimension_numbers<[1], [0], [0], [1], [0, 0, 1, 1], [], []>, transpose_lhs_hint = false} : vector<512x64xf32>, vector<64x256xf32>, vector<512x256xf32> -> vector<512x256xf32>
    %get3A_25 = arith.constant 0 : index
    %get3A_26 = arith.constant 0 : index
    %get3A_27 = vector.load %arg6[%get3A_25, %get3A_26] : memref<1x256xf32, #tpu.memory_space<vmem>>, vector<1x256xf32>
    %add3A_28 = vector.broadcast %get3A_27 : vector<1x256xf32> to vector<512x256xf32>
    %add3A_29 = arith.addf %dot_general3A_24, %add3A_28 : vector<512x256xf32>
    %mul3A = arith.constant 5.000000e-01 : f32
    %mul3A_30 = vector.broadcast %mul3A : f32 to vector<512x256xf32>
    %mul3A_31 = arith.mulf %mul3A_30, %add3A_29 : vector<512x256xf32>
    %sqrt3A = arith.constant 2.000000e+00 : f32
    %sqrt3A_32 = math.sqrt %sqrt3A : f32
    %div3A_33 = vector.broadcast %sqrt3A_32 : f32 to vector<512x256xf32>
    %div3A_34 = arith.divf %add3A_29, %div3A_33 : vector<512x256xf32>
    %erf3A = math.erf %div3A_34 : vector<512x256xf32>
    %add3A_35 = arith.constant 1.000000e+00 : f32
    %add3A_36 = vector.broadcast %add3A_35 : f32 to vector<512x256xf32>
    %add3A_37 = arith.addf %add3A_36, %erf3A : vector<512x256xf32>
    %mul3A_38 = arith.mulf %mul3A_31, %add3A_37 : vector<512x256xf32>
    %get3A_39 = arith.constant 0 : index
    %get3A_40 = arith.constant 0 : index
    %get3A_41 = vector.load %arg7[%get3A_39, %get3A_40] : memref<256x128xf32, #tpu.memory_space<vmem>>, vector<256x128xf32>
    %dot_general3A_42 = arith.constant dense<0.000000e+00> : vector<512x128xf32>
    %dot_general3A_43 = tpu.matmul %mul3A_38, %get3A_41, %dot_general3A_42 {dimension_numbers = #tpu.dot_dimension_numbers<[1], [0], [0], [1], [0, 0, 1, 1], [], []>, transpose_lhs_hint = false} : vector<512x256xf32>, vector<256x128xf32>, vector<512x128xf32> -> vector<512x128xf32>
    %get3A_44 = arith.constant 0 : index
    %get3A_45 = arith.constant 0 : index
    %get3A_46 = vector.load %arg8[%get3A_44, %get3A_45] : memref<1x128xf32, #tpu.memory_space<vmem>>, vector<1x128xf32>
    %add3A_47 = vector.broadcast %get3A_46 : vector<1x128xf32> to vector<512x128xf32>
    %add3A_48 = arith.addf %dot_general3A_43, %add3A_47 : vector<512x128xf32>
    %mul3A_49 = arith.constant 5.000000e-01 : f32
    %mul3A_50 = vector.broadcast %mul3A_49 : f32 to vector<512x128xf32>
    %mul3A_51 = arith.mulf %mul3A_50, %add3A_48 : vector<512x128xf32>
    %sqrt3A_52 = arith.constant 2.000000e+00 : f32
    %sqrt3A_53 = math.sqrt %sqrt3A_52 : f32
    %div3A_54 = vector.broadcast %sqrt3A_53 : f32 to vector<512x128xf32>
    %div3A_55 = arith.divf %add3A_48, %div3A_54 : vector<512x128xf32>
    %erf3A_56 = math.erf %div3A_55 : vector<512x128xf32>
    %add3A_57 = arith.constant 1.000000e+00 : f32
    %add3A_58 = vector.broadcast %add3A_57 : f32 to vector<512x128xf32>
    %add3A_59 = arith.addf %add3A_58, %erf3A_56 : vector<512x128xf32>
    %mul3A_60 = arith.mulf %mul3A_51, %add3A_59 : vector<512x128xf32>
    %get3A_61 = arith.constant 0 : index
    %get3A_62 = arith.constant 0 : index
    %get3A_63 = vector.load %arg9[%get3A_61, %get3A_62] : memref<1x128xf32, #tpu.memory_space<vmem>>, vector<1x128xf32>
    %mul3A_64 = vector.broadcast %get3A_63 : vector<1x128xf32> to vector<512x128xf32>
    %mul3A_65 = arith.mulf %mul3A_60, %mul3A_64 : vector<512x128xf32>
    %reduce_sum3A_66 = arith.constant dense<0.000000e+00> : vector<512xf32>
    %reduce_sum3A_67 = vector.multi_reduction <add>, %mul3A_65, %reduce_sum3A_66 [1] : vector<512x128xf32> to vector<512xf32>
    %broadcast_in_dim3A_68 = vector.shape_cast %reduce_sum3A_67 : vector<512xf32> to vector<512x1xf32>
    %get3A_69 = arith.constant 0 : index
    %get3A_70 = arith.constant 0 : index
    %get3A_71 = vector.load %arg10[%get3A_69, %get3A_70] : memref<1x1xf32, #tpu.memory_space<vmem>>, vector<1x1xf32>
    %add3A_72 = vector.broadcast %get3A_71 : vector<1x1xf32> to vector<512x1xf32>
    %add3A_73 = arith.addf %broadcast_in_dim3A_68, %add3A_72 : vector<512x1xf32>
    %swap3A = arith.constant 0 : index
    %swap3A_74 = arith.constant 0 : index
    %swap3A_75 = vector.load %arg11[%swap3A, %swap3A_74] : memref<512x1xf32, #tpu.memory_space<vmem>>, vector<512x1xf32>
    tpu.vector_store %arg11[%swap3A, %swap3A_74], %add3A_73 {strides = array<i32>} : memref<512x1xf32, #tpu.memory_space<vmem>>, vector<512x1xf32>,
    return
  }
  func.func @transform_0(%arg0: i32) -> (i32, i32) {
    %c0_i32 = arith.constant 0 : i32
    %c0_i32_0 = arith.constant 0 : i32
    return %arg0, %c0_i32 : i32, i32
  }
  func.func @transform_1(%arg0: i32) -> (i32, i32) {
    %c0_i32 = arith.constant 0 : i32
    %c0_i32_0 = arith.constant 0 : i32
    return %arg0, %c0_i32 : i32, i32
  }
  func.func @transform_2(%arg0: i32) -> (i32, i32) {
    %c0_i32 = arith.constant 0 : i32
    %c0_i32_0 = arith.constant 0 : i32
    %c0_i32_1 = arith.constant 0 : i32
    return %c0_i32, %c0_i32_0 : i32, i32
  }
  func.func @transform_3(%arg0: i32) -> (i32, i32) {
    %c0_i32 = arith.constant 0 : i32
    %c0_i32_0 = arith.constant 0 : i32
    %c0_i32_1 = arith.constant 0 : i32
    return %c0_i32, %c0_i32_0 : i32, i32
  }
  func.func @transform_4(%arg0: i32) -> (i32, i32) {
    %c0_i32 = arith.constant 0 : i32
    %c0_i32_0 = arith.constant 0 : i32
    %c0_i32_1 = arith.constant 0 : i32
    return %c0_i32, %c0_i32_0 : i32, i32
  }
  func.func @transform_5(%arg0: i32) -> (i32, i32) {
    %c0_i32 = arith.constant 0 : i32
    %c0_i32_0 = arith.constant 0 : i32
    %c0_i32_1 = arith.constant 0 : i32
    return %c0_i32, %c0_i32_0 : i32, i32
  }
  func.func @transform_6(%arg0: i32) -> (i32, i32) {
    %c0_i32 = arith.constant 0 : i32
    %c0_i32_0 = arith.constant 0 : i32
    %c0_i32_1 = arith.constant 0 : i32
    return %c0_i32, %c0_i32_0 : i32, i32
  }
  func.func @transform_7(%arg0: i32) -> (i32, i32) {
    %c0_i32 = arith.constant 0 : i32
    %c0_i32_0 = arith.constant 0 : i32
    %c0_i32_1 = arith.constant 0 : i32
    return %c0_i32, %c0_i32_0 : i32, i32
  }
  func.func @transform_8(%arg0: i32) -> (i32, i32) {
    %c0_i32 = arith.constant 0 : i32
    %c0_i32_0 = arith.constant 0 : i32
    %c0_i32_1 = arith.constant 0 : i32
    return %c0_i32, %c0_i32_0 : i32, i32
  }
  func.func @transform_9(%arg0: i32) -> (i32, i32) {
    %c0_i32 = arith.constant 0 : i32
    %c0_i32_0 = arith.constant 0 : i32
    %c0_i32_1 = arith.constant 0 : i32
    return %c0_i32, %c0_i32_0 : i32, i32
  }
  func.func @transform_10(%arg0: i32) -> (i32, i32) {
    %c0_i32 = arith.constant 0 : i32
    %c0_i32_0 = arith.constant 0 : i32
    return %arg0, %c0_i32 : i32, i32
  }
}

</mosaic_0001>

<sc_bundles>
// kernel: kernel.4.cloned.1.call-start
scs
__scs_entry_jumppad:
0x0: {  	(pc) =	sbr.rel $0x88, $3  }
0x1: {  	(tag) =	ssettag $0x0;
	lr =	simm.s32 $0x1  }
0x2: {  	[smem:$0x3F97] =	sst lr;
	_ =	strace $0xD0000000  }
0x3: {  	_ = 	snop  }
0x4: {  	_ = 	snop  }
0x5: {  	_ = 	snop  }
0x6: {  	_ = 	snop  }
0x7: {  	_ = 	snop  }
__scs_overlays_trampoline_lowered:
0x8: {  	[smem:$0x3FA6] =	sst s0  }
0x9: {  	[smem:$0x3FA7] =	sst s1  }
0xa: {  	[smem:$0x3FA8] =	sst s2  }
0xb: {  	[smem:$0x3FA9] =	sst s3  }
0xc: {  	[smem:$0x3FAA] =	sst s4  }
0xd: {  	[smem:$0x3FAB] =	sst s5  }
0xe: {  	[smem:$0x3FAC] =	sst s6  }
0xf: {  	[smem:$0x3FAD] =	sst s7  }
0x10: {  	[smem:$0x3FAE] =	sst s8  }
0x11: {  	[smem:$0x3FAF] =	sst s9;
	s0 =	simm.s32 @!p0 $0x0  }
0x12: {  	s1 =	sld [smem:$0x3F95];
	s0 =	simm.s32 @p0 $0x1  }
0x13: {  	[smem:$0x3FB0] =	sst s0;
	s0 =	simm.s32 @!p1 $0x0  }
0x14: {  	s2 =	sld [smem:$0x3F94];
	s0 =	simm.s32 @p1 $0x1  }
0x15: {  	[smem:$0x3FB1] =	sst s0;
	s0 =	simm.s32 @!p2 $0x0  }
0x16: {  	s3 =	sld [smem:$0x3FDB];
	s0 =	simm.s32 @p2 $0x1  }
0x17: {  	s4 =	simm.s32 $0x1BF5;
	[smem:$0x3FB3] =	sst s0  }
0x18: {  	s0 =	sld [smem:$0x3F96];
	_ =	swait.ge [sflag:s4], $0x0  }
0x19: {  	s7 =	sld [smem:$0x3F97]  }
0x1a: {  	s8 =	sadd.s32 $0xFFFFE003, lr  }
0x1b: {  	s9 =	sadd.s32 $0xFFFFFEF7, lr;
	s5 =	simm.s32 $0xFFFFFFFF;
	p2 =	slt.u32 s8, $0xFFFFF086  }
0x1c: {  	p1 =	slt.u32 s9, $0xF7A;
	s5 =	simm.s32 @!p2 $0x0  }
0x1d: {  	s5 =	simm.s32 @p1 $0x1;
	p0 =	seq.s32 s7, s2  }
0x1e: {  	s7 =	smul.u32 @!p0 $0xF7A, s2;
	p2 =	seq.s32 @!p0 s5, $0x0  }
0x1f: {  	s9 =	smul.u32 $0xF7A, s1;
	s8 =	simm.s32 @!p0 $0x1BF5;
	p2 =	por !p2, p0  }
0x20: {  	[sflag:s8] =	ssyncset.s32 @!p0 $0xFFFFF086;
	s6 =	sadd.s32 @!p0 s3, s7;
	s7 =	simm.s32 @!p0 $0x108  }
0x21: {  	s3 =	sadd.s32 s3, s9;
	s6 =	sadd.s32 @!p0 $0x88, s6;
	s7 =	simm.s32 @p2 $0x1082  }
0x22: {  	[simem:s7], [sflag:s8] =	dma.local @!p0 [hbm:s6], $0xF7A  }
0x23: {  	s9 =	sor.u32 $0xD0000000, s2;
	s6 =	simm.s32 $0x108;
	_ =	swait.ge @!p0 [sflag:s8], $0x0  }
0x24: {  	s3 =	sadd.s32 $0x88, s3;
	s6 =	simm.s32 @!p1 $0x1082;
	[sflag:s4] =	ssyncset.s32 $0xFFFFF086  }
0x25: {  	[simem:s6], [sflag:s4] =	dma.local [hbm:s3], $0xF7A  }
0x26: {  	[smem:$0x3F97] =	sst s1;
	(tag) =	ssettag s2;
	_ =	strace s9  }
0x27: {  	s1 =	sld [smem:$0x3FA7]  }
0x28: {  	s2 =	sld [smem:$0x3FA8]  }
0x29: {  	s4 =	sld [smem:$0x3FAA]  }
0x2a: {  	p0 =	seq.s32 s5, $0x0;
	s5 =	sld [smem:$0x3FAB]  }
0x2b: {  	s6 =	sld [smem:$0x3FAC]  }
0x2c: {  	s7 =	sld [smem:$0x3FAD]  }
0x2d: {  	s3 =	simm.s32 $0x108;
	s8 =	sld [smem:$0x3FAE]  }
0x2e: {  	s3 =	simm.s32 @!p0 $0x1082;
	s9 =	sld [smem:$0x3FAF]  }
0x2f: {  	lr =	sadd.s32 s0, s3;
	s0 =	sld [smem:$0x3FA6]  }
0x30: {  	s3 =	sld [smem:$0x3FA9]  }
0x31: {  	[smem:$0x3FB2] =	sst s10  }
0x32: {  	s10 =	sld [smem:$0x3FB0];
	_ =	sdelay $0x3  }
0x33: {  	p0 =	seq.s32 s10, $0x1;
	s10 =	sld [smem:$0x3FB2];
	_ =	sdelay $0x3  }
0x34: {  	[smem:$0x3FB2] =	sst s10  }
0x35: {  	s10 =	sld [smem:$0x3FB1];
	_ =	sdelay $0x3  }
0x36: {  	p1 =	seq.s32 s10, $0x1;
	s10 =	sld [smem:$0x3FB2];
	_ =	sdelay $0x3  }
0x37: {  	[smem:$0x3FB2] =	sst s10  }
0x38: {  	s10 =	sld [smem:$0x3FB3]  }
0x39: {  	_ = 	snop;
	(pc) =	sbr.ind lr, $3  }
0x3a: {  	_ = 	snop  }
0x3b: {  	_ = 	snop  }
0x3c: {  	p2 =	seq.s32 s10, $0x1;
	s10 =	sld [smem:$0x3FB2]  }
0x3d: {  	_ =	shalt  }
0x3e: {  	_ =	shalt  }
0x3f: {  	_ =	shalt  }
0x40: {  	_ =	shalt  }
0x41: {  	_ =	shalt  }
0x42: {  	_ =	shalt  }
0x43: {  	_ =	shalt  }
0x44: {  	_ =	shalt  }
0x45: {  	_ =	shalt  }
0x46: {  	_ =	shalt  }
0x47: {  	_ =	shalt  }
0x48: {  	_ =	shalt  }
0x49: {  	_ =	shalt  }
0x4a: {  	_ =	shalt  }
0x4b: {  	_ =	shalt  }
0x4c: {  	_ =	shalt  }
0x4d: {  	_ =	shalt  }
0x4e: {  	_ =	shalt  }
0x4f: {  	_ =	shalt  }
0x50: {  	_ =	shalt  }
0x51: {  	_ =	shalt  }
0x52: {  	_ =	shalt  }
0x53: {  	_ =	shalt  }
0x54: {  	_ =	shalt  }
0x55: {  	_ =	shalt  }
0x56: {  	_ =	shalt  }
0x57: {  	_ =	shalt  }
0x58: {  	_ =	shalt  }
0x59: {  	_ =	shalt  }
0x5a: {  	_ =	shalt  }
0x5b: {  	_ =	shalt  }
0x5c: {  	_ =	shalt  }
0x5d: {  	_ =	shalt  }
0x5e: {  	_ =	shalt  }
0x5f: {  	_ =	shalt  }
0x60: {  	_ =	shalt  }
0x61: {  	_ =	shalt  }
0x62: {  	_ =	shalt  }
0x63: {  	_ =	shalt  }
0x64: {  	_ =	shalt  }
0x65: {  	_ =	shalt  }
0x66: {  	_ =	shalt  }
0x67: {  	_ =	shalt  }
0x68: {  	_ =	shalt  }
0x69: {  	_ =	shalt  }
0x6a: {  	_ =	shalt  }
0x6b: {  	_ =	shalt  }
0x6c: {  	_ =	shalt  }
0x6d: {  	_ =	shalt  }
0x6e: {  	_ =	shalt  }
0x6f: {  	_ =	shalt  }
0x70: {  	_ =	shalt  }
0x71: {  	_ =	shalt  }
0x72: {  	_ =	shalt  }
0x73: {  	_ =	shalt  }
0x74: {  	_ =	shalt  }
0x75: {  	_ =	shalt  }
0x76: {  	_ =	shalt  }
0x77: {  	_ =	shalt  }
0x78: {  	_ =	shalt  }
0x79: {  	_ =	shalt  }
0x7a: {  	_ =	shalt  }
0x7b: {  	_ =	shalt  }
0x7c: {  	_ =	shalt  }
0x7d: {  	_ =	shalt  }
0x7e: {  	_ =	shalt  }
0x7f: {  	_ =	shalt  }
0x80: {  	_ =	shalt  }
0x81: {  	_ =	shalt  }
0x82: {  	_ =	shalt  }
0x83: {  	_ =	shalt  }
0x84: {  	_ =	shalt  }
0x85: {  	_ =	shalt  }
0x86: {  	_ =	shalt  }
0x87: {  	_ =	shalt  }
.Lfunc_end0:
.L_simem_size_0:
called_computation_lowered:
.L_overlay_start_0:
0x88: {  	s2 =	sld [smem:$0x3FD9]  }
0x89: {  	s3 =	sld [smem:$0x3FFE];
	_ =	sdelay $0x1  }
0x8a: {  	s1 =	srdreg.scid  }
0x8b: {  	s0 =	sand.u32 $0x1, s1  }
0x8c: {  	s16 =	sshll.u32 s0, $0xA;
	s2 =	sadd.s32 s3, s2  }
0x8d: {  	s2 =	sadd.s32 s2, s16  }
0x8e: {  	[smem:$0x3FBE] =	sst s2  }
0x8f: {  	_ = 	snop  }
0x90: {  	(tm) =	ssettm $0x1  }
0x91: {  	s17 =	sld [smem:$0x3FFB];
	_ =	sdelay $0x3  }
0x92: {  	_ =	strace s17  }
0x93: {  	s2 =	sld [smem:$0x3FFC];
	_ =	sdelay $0x3  }
0x94: {  	_ =	strace s2  }
0x95: {  	s2 =	sld [smem:$0x3FFD];
	_ =	sdelay $0x3  }
0x96: {  	_ =	strace s2  }
0x97: {  	_ =	strace $0x8FFFFFFF  }
0x98: {  	s18 =	sld [smem:$0x3FDB];
	_ =	sdelay $0x1  }
0x99: {  	s19 =	simm.s32 $_scs_section_size  }
0x9a: {  	s4 =	simm.s32 $_size__tile_overlayer_lowered;
	s5 =	simm.s32 $_tile_overlayer_lowered  }
0x9b: {  	s22 =	simm.s32 $0x1BFF;
	s21 =	sshll.u32 s5, $0x1;
	s2 =	sadd.s32 s19, s18  }
0x9c: {  	s6 =	simm.s32 $0x0;
	s20 =	sshll.u32 s4, $0x1;
	s4 =	sadd.s32 s21, s2  }
0x9d: {  	[timem:s6], [sflag:s22] =	dma.local [hbm:s4], s20  }
0x9e: {  	_ =	swait.ge [sflag:s22], s20  }
0x9f: {  	s3 =	ssub.s32 $0x0, s20;
	[sflag:s22] =	ssyncset.done $0x0  }
0xa0: {  	[sflag:s22] =	ssyncadd.s32 s3;
	_ =	sdelay $0x1  }
0xa1: {  	s23 =	simm.s32 $0x1B8B  }
0xa2: {  	_ =	swait.ge [sflag:s23], $0x1  }
0xa3: {  	[sflag:s23] =	ssyncset.done $0x0  }
0xa4: {  	s25 =	simm.s32 $0x1B8E;
	s24 =	sld [smem:$0x3FFE];
	[sflag:s23] =	ssyncadd.s32 $0xFFFFFFFF  }
0xa5: {  	s26 =	simm.s32 $execute0_lowered;
	[smem:$0x3FD2] =	sst s25  }
0xa6: {  	s4 =	sshll.u32 s26, $0x1;
	_ =	strace $0x80000046;
	[dreg:$0x1] =	wrdreg $0xFFFFFFFF  }
0xa7: {  	s28 =	simm.s32 $_size_execute0_lowered;
	s2 =	sadd.s32 s2, s4;
	[dreg:$0x0] =	wrdreg $0x0  }
0xa8: {  	s4 =	sshll.u32 s28, $0x1;
	[dreg:$0x2] =	wrdreg s2  }
0xa9: {  	[dreg:$0x3] =	wrdreg s4  }
0xaa: {  	[dreg:$0x4] =	wrdreg $0xC0  }
0xab: {  	_ =	task [dreg:s6], $0x5FFFF  }
0xac: {  	[dreg:$0x1] =	wrdreg $0xFFFFFFFF  }
0xad: {  	[dreg:$0x0] =	wrdreg $0x60  }
0xae: {  	[dreg:$0x2] =	wrdreg s24  }
0xaf: {  	[dreg:$0x3] =	wrdreg $0x9  }
0xb0: {  	_ =	task.clear_ibuf [dreg:s6], $0x4FFFF;
	_ =	strace $0x90000046  }
0xb1: {  	s29 =	simm.s32 $0x9;
	_ =	strace $0x80000048  }
0xb2: {  	_ =	swait.ge [sflag:s29], $0x1  }
0xb3: {  	[sflag:s29] =	ssyncadd.s32 $0xFFFFFFFF  }
0xb4: {  	_ =	strace $0x90000048  }
0xb5: {  	_ =	sfence  }
0xb6: {  	s30 =	sld [smem:$0x0];
	_ =	sdelay $0x2  }
0xb7: {  	s31 =	sshll.u32 s1, $0xD;
	s1 =	sshrl.u32 s1, $0x2  }
0xb8: {  	s3 =	sand.u32 $0x4000, s31;
	s1 =	sadd.s32 s1, s30  }
0xb9: {  	s0 =	sor.u32 s3, s0;
	s1 =	sshll.u32 s1, $0x11  }
0xba: {  	s0 =	sor.u32 s1, s0  }
0xbb: {  	s0 =	sadd.s32 $0x8F2B, s0  }
0xbc: {  	[sflag:s0] =	ssyncadd.remote.s32 $0x1  }
0xbd: {  	_ =	sfence.sel $0xFFFF  }
0xbe: {  	[dreg:$0x0] =	wrdreg $0xFFFFFFFF;
	(pc) =	sbr.abs _section_cstart, $3  }
0xbf: {  	[dreg:$0x1] =	wrdreg $0xFFFFFFFF  }
0xc0: {  	_ =	task.clear_ibuf [dreg:s6], $0x2FFFF;
	_ =	strace $0x9FFFFFFF  }
0xc1: {  	(tm) =	ssettm $0x7FFFFFFF  }
tec
execute0_lowered:
.L_overlay_start_1:
0x0: {  	(tag) =	ssettag $0x1  }
0x1: {  	s1 =	srdreg.scid  }
0x2: {  	s0 =	stileid.u32;
	s4 =	rddreg [dreg:$0x0]  }
0x3: {  	s2 =	simm.s32 $0x0;
	s9 =	simm.s32 $0x6400;
	s10 =	simm.s32 $0xC800  }
0x4: {  	s11 =	simm.s32 $0x6480;
	s12 =	simm.s32 $0x6500;
	s13 =	simm.s32 $0x6580  }
0x5: {  	s14 =	simm.s32 $0x6600;
	s15 =	simm.s32 $0x6680;
	s16 =	simm.s32 $0x6700  }
0x6: {  	s17 =	simm.s32 $0x6780;
	s18 =	simm.s32 $0x6800;
	s19 =	simm.s32 $0x6880  }
0x7: {  	s20 =	simm.s32 $0x1;
	s3 =	sand.u32 $0x1, s1;
	s1 =	rddreg [dreg:$0x1]  }
0x8: {  	s21 =	simm.s32 $0x0;
	s5 =	sshll.u32 s0, $0x1;
	[smem:$0x7FF] =	sst s2  }
0x9: {  	s5 =	sor.u32 s3, s5;
	_ =	strace $0x80000047;
	s7 =	ssub.s32 $0x2, s3  }
0xa: {  	s6 =	smul.u32 $0xC80, s5;
	s5 =	sshll.u32 s5, $0xA;
	s8 =	sshrl.u32 s7, $0x1  }
0xb: {  	v0 =	vlaneseq.u32;
	s3 =	sadd.s32 $0x1A0C00, s4;
	s5 =	sadd.s32 s5, s4;
	s7 =	ssub.s32 s7, s8  }
0xc: {  	v0 =	vmul.u32 $0xC8, v0;
	s8 =	simm.s32 $0x80;
	s6 =	sadd.s32 s6, s4;
	s5 =	sadd.s32 $0x1A200, s5  }
0xd: {  	v1 =	vimm.f32 $0.0e+00;
	s4 =	sadd.s32 $0x1200, s6;
	s6 =	smax.u32 s7, $0x1;
	s7 =	simm.s32 $0x2  }
.LBB2_1:
0xe: {  	v2 =	vadd.s32 s2, v0  }
0xf: {  	[tilespmem:s2], [sflag:$0x2] =	stream.linear.gather [hbm4b:s4+s2], $0x6400, $0x38;
	[tilespmem:$0xE800] =	vst v63  }
0x10: {  	_ =	swait.ge [sflag:s7], $0x6400  }
0x11: {  	[sflag:s7] =	ssyncset.done $0x0  }
0x12: {  	[sflag:s7] =	ssyncadd.s32 $0xFFFF9C00  }
0x13: {  	s22 =	simm.s32 $0xC80;
	v2 =	vld.idx.msk [tilespmem:v2+s2+$0x0], $0xffff  }
0x14: {  	v3 =	vadd.s32 s22, v0;
	_ =	sdelay $0x2  }
0x15: {  	s22 =	simm.s32 $0x6440  }
0x16: {  	[tilespmem:s22+$0xFFFFFFC0] =	vst v2  }
0x17: {  	s23 =	simm.s32 $0x1900;
	v2 =	vld.idx.msk [tilespmem:v3+s2+$0x0], $0xffff  }
0x18: {  	v3 =	vadd.s32 s23, v0;
	_ =	sdelay $0x3  }
0x19: {  	[tilespmem:s22+$0xFFFFFFD0] =	vst v2  }
0x1a: {  	s26 =	simm.s32 $0x2580;
	v2 =	vld.idx.msk [tilespmem:v3+s2+$0x0], $0xffff  }
0x1b: {  	v3 =	vadd.s32 s26, v0;
	_ =	sdelay $0x3  }
0x1c: {  	[tilespmem:s22+$0xFFFFFFE0] =	vst v2  }
0x1d: {  	s28 =	simm.s32 $0x3200;
	v2 =	vld.idx.msk [tilespmem:v3+s2+$0x0], $0xffff  }
0x1e: {  	v3 =	vadd.s32 s28, v0;
	_ =	sdelay $0x3  }
0x1f: {  	[tilespmem:s22+$0xFFFFFFF0] =	vst v2  }
0x20: {  	s29 =	simm.s32 $0x3E80;
	v2 =	vld.idx.msk [tilespmem:v3+s2+$0x0], $0xffff  }
0x21: {  	v3 =	vadd.s32 s29, v0;
	_ =	sdelay $0x3  }
0x22: {  	[tilespmem:s22+$0x0] =	vst v2  }
0x23: {  	s30 =	simm.s32 $0x4B00;
	v2 =	vld.idx.msk [tilespmem:v3+s2+$0x0], $0xffff  }
0x24: {  	v3 =	vadd.s32 s30, v0;
	_ =	sdelay $0x3  }
0x25: {  	[tilespmem:s22+$0x10] =	vst v2  }
0x26: {  	s31 =	simm.s32 $0x5780;
	v2 =	vld.idx.msk [tilespmem:v3+s2+$0x0], $0xffff  }
0x27: {  	v3 =	vadd.s32 s31, v0;
	_ =	sdelay $0x3  }
0x28: {  	[tilespmem:s22+$0x20] =	vst v2  }
0x29: {  	s23 =	simm.s32 $0x1;
	v2 =	vld.idx.msk [tilespmem:v3+s2+$0x0], $0xffff  }
0x2a: {  	s25 =	simm.s32 $0x2;
	v3 =	vadd.s32 s23, v0  }
.LBB2_2:
0x2b: {  	p0 =	sne.s32 s25, $0x9;
	_ =	sdelay $0x2  }
0x2c: {  	s24 =	simm.s32 $0x0;
	[tilespmem:s22+$0x30] =	vst v2  }
0x2d: {  	v2 =	vld.idx.msk [tilespmem:v3+s24+$0x0], $0xffff  }
0x2e: {  	s26 =	sadd.s32 $0xC80, s23  }
0x2f: {  	v3 =	vadd.s32 s26, v0;
	_ =	sdelay $0x2  }
0x30: {  	s22 =	sadd.s32 $0x80, s22  }
0x31: {  	[tilespmem:s22+$0xFFFFFFC0] =	vst v2  }
0x32: {  	v2 =	vld.idx.msk [tilespmem:v3+s24+$0x0], $0xffff  }
0x33: {  	s26 =	sadd.s32 $0x1900, s23  }
0x34: {  	v3 =	vadd.s32 s26, v0;
	_ =	sdelay $0x3  }
0x35: {  	[tilespmem:s22+$0xFFFFFFD0] =	vst v2  }
0x36: {  	v2 =	vld.idx.msk [tilespmem:v3+s24+$0x0], $0xffff  }
0x37: {  	s26 =	sadd.s32 $0x2580, s23  }
0x38: {  	v3 =	vadd.s32 s26, v0;
	_ =	sdelay $0x3  }
0x39: {  	[tilespmem:s22+$0xFFFFFFE0] =	vst v2  }
0x3a: {  	v2 =	vld.idx.msk [tilespmem:v3+s24+$0x0], $0xffff  }
0x3b: {  	s26 =	sadd.s32 $0x3200, s23  }
0x3c: {  	v3 =	vadd.s32 s26, v0;
	_ =	sdelay $0x3  }
0x3d: {  	[tilespmem:s22+$0xFFFFFFF0] =	vst v2  }
0x3e: {  	v2 =	vld.idx.msk [tilespmem:v3+s24+$0x0], $0xffff  }
0x3f: {  	s26 =	sadd.s32 $0x3E80, s23  }
0x40: {  	v3 =	vadd.s32 s26, v0;
	_ =	sdelay $0x3  }
0x41: {  	[tilespmem:s22+$0x0] =	vst v2  }
0x42: {  	v2 =	vld.idx.msk [tilespmem:v3+s24+$0x0], $0xffff  }
0x43: {  	s26 =	sadd.s32 $0x4B00, s23  }
0x44: {  	v3 =	vadd.s32 s26, v0;
	_ =	sdelay $0x3  }
0x45: {  	[tilespmem:s22+$0x10] =	vst v2  }
0x46: {  	v2 =	vld.idx.msk [tilespmem:v3+s24+$0x0], $0xffff  }
0x47: {  	s26 =	sadd.s32 $0x5780, s23;
	s23 =	smov.u32 s25  }
0x48: {  	v3 =	vadd.s32 s26, v0;
	_ =	sdelay $0x2  }
.Ltmp0:
0x49: {  	(pc) =	sbr.rel @p0 .LBB2_2-.Ltmp0, $3  }
0x4a: {  	[tilespmem:s22+$0x20] =	vst v2  }
0x4b: {  	v2 =	vld.idx.msk [tilespmem:v3+s24+$0x0], $0xffff;
	_ =	sdelay $0x1  }
0x4c: {  	s25 =	sadd.s32 $0x1, s25;
	v3 =	vadd.s32 s23, v0  }
0x4d: {  	_ =	sdelay $0x2  }
0x4e: {  	[tilespmem:s22+$0x30] =	vst v2  }
0x4f: {  	s25 =	sadd.s32 $0xC80, s23;
	v2 =	vld.idx.msk [tilespmem:v3+s24+$0x0], $0xffff  }
0x50: {  	v3 =	vadd.s32 s25, v0;
	_ =	sdelay $0x2  }
0x51: {  	s22 =	sadd.s32 $0x80, s22  }
0x52: {  	[tilespmem:s22+$0xFFFFFFC0] =	vst v2  }
0x53: {  	s31 =	sadd.s32 $0x1900, s23;
	v2 =	vld.idx.msk [tilespmem:v3+s24+$0x0], $0xffff  }
0x54: {  	v3 =	vadd.s32 s31, v0;
	_ =	sdelay $0x3  }
0x55: {  	[tilespmem:s22+$0xFFFFFFD0] =	vst v2  }
0x56: {  	s26 =	sadd.s32 $0x2580, s23;
	v2 =	vld.idx.msk [tilespmem:v3+s24+$0x0], $0xffff  }
0x57: {  	v3 =	vadd.s32 s26, v0;
	_ =	sdelay $0x3  }
0x58: {  	[tilespmem:s22+$0xFFFFFFE0] =	vst v2  }
0x59: {  	s28 =	sadd.s32 $0x3200, s23;
	v2 =	vld.idx.msk [tilespmem:v3+s24+$0x0], $0xffff  }
0x5a: {  	v3 =	vadd.s32 s28, v0;
	_ =	sdelay $0x3  }
0x5b: {  	[tilespmem:s22+$0xFFFFFFF0] =	vst v2  }
0x5c: {  	s29 =	sadd.s32 $0x3E80, s23;
	v2 =	vld.idx.msk [tilespmem:v3+s24+$0x0], $0xffff  }
0x5d: {  	v3 =	vadd.s32 s29, v0;
	_ =	sdelay $0x3  }
0x5e: {  	[tilespmem:s22+$0x0] =	vst v2  }
0x5f: {  	s30 =	sadd.s32 $0x4B00, s23;
	v2 =	vld.idx.msk [tilespmem:v3+s24+$0x0], $0xffff  }
0x60: {  	v3 =	vadd.s32 s30, v0;
	_ =	sdelay $0x3  }
0x61: {  	[tilespmem:s22+$0x10] =	vst v2  }
0x62: {  	s31 =	sadd.s32 $0x5780, s23;
	v2 =	vld.idx.msk [tilespmem:v3+s24+$0x0], $0xffff  }
0x63: {  	v3 =	vadd.s32 s31, v0;
	_ =	sdelay $0x3  }
0x64: {  	[tilespmem:s22+$0x20] =	vst v2  }
0x65: {  	p0 =	por $0x1, $0x1;
	v2 =	vld.idx.msk [tilespmem:v3+s24+$0x0], $0xffff  }
.Ltmp1:
0x66: {  	_ = 	snop;
	(pc) =	sbr.rel @!p0 .LBB2_5-.Ltmp1, $2  }
0x67: {  	_ =	sdelay $0x2  }
0x68: {  	s23 =	simm.s32 $0x100;
	[tilespmem:s22+$0x30] =	vst v2;
	s22 =	simm.s32 $0x0  }
.LBB2_4:
0x69: {  	p0 =	sne.s32 s23, $0x7F00;
	[tilespmem:s22+$0xC830] =	vst v1;
	s24 =	smov.u32 s23;
	s23 =	sadd.s32 $0x100, s23  }
.Ltmp2:
0x6a: {  	[tilespmem:s22+$0xC820] =	vst v1;
	(pc) =	sbr.rel @p0 .LBB2_4-.Ltmp2, $3  }
0x6b: {  	[tilespmem:s22+$0xC800] =	vst v1  }
0x6c: {  	[tilespmem:s22+$0xC810] =	vst v1;
	_ =	sdelay $0x1  }
0x6d: {  	s22 =	sshra.s32 s24, $0x2  }
.LBB2_5:
0x6e: {  	[tilespmem:s22+$0xC830] =	vst v1  }
0x6f: {  	[tilespmem:s22+$0xC820] =	vst v1  }
0x70: {  	[tilespmem:s22+$0xC800] =	vst v1  }
0x71: {  	[tilespmem:s22+$0xC810] =	vst v1  }
0x72: {  	[tilespmem:s10], [sflag:$0x1] =	stream.indirect.gather.add.f32 [hbm:s3], $0x40, s9, s8, $0xb8;
	[tilespmem:$0xE800] =	vst v63  }
0x73: {  	_ = 	snop  }
0x74: {  	[tilespmem:s10], [sflag:$0x1] =	stream.indirect.gather.add.f32 [hbm:s3], $0x40, s11, s8, $0xb8;
	[tilespmem:$0xE800] =	vst v63  }
0x75: {  	_ = 	snop  }
0x76: {  	[tilespmem:s10], [sflag:$0x1] =	stream.indirect.gather.add.f32 [hbm:s3], $0x40, s12, s8, $0xb8;
	[tilespmem:$0xE800] =	vst v63  }
0x77: {  	_ = 	snop  }
0x78: {  	[tilespmem:s10], [sflag:$0x1] =	stream.indirect.gather.add.f32 [hbm:s3], $0x40, s13, s8, $0xb8;
	[tilespmem:$0xE800] =	vst v63  }
0x79: {  	_ = 	snop  }
0x7a: {  	[tilespmem:s10], [sflag:$0x1] =	stream.indirect.gather.add.f32 [hbm:s3], $0x40, s14, s8, $0xb8;
	[tilespmem:$0xE800] =	vst v63  }
0x7b: {  	_ = 	snop  }
0x7c: {  	[tilespmem:s10], [sflag:$0x1] =	stream.indirect.gather.add.f32 [hbm:s3], $0x40, s15, s8, $0xb8;
	[tilespmem:$0xE800] =	vst v63  }
0x7d: {  	_ = 	snop  }
0x7e: {  	[tilespmem:s10], [sflag:$0x1] =	stream.indirect.gather.add.f32 [hbm:s3], $0x40, s16, s8, $0xb8;
	[tilespmem:$0xE800] =	vst v63  }
0x7f: {  	_ = 	snop  }
0x80: {  	[tilespmem:s10], [sflag:$0x1] =	stream.indirect.gather.add.f32 [hbm:s3], $0x40, s17, s8, $0xb8;
	[tilespmem:$0xE800] =	vst v63  }
0x81: {  	_ = 	snop  }
0x82: {  	[tilespmem:s10], [sflag:$0x1] =	stream.indirect.gather.add.f32 [hbm:s3], $0x40, s18, s8, $0xb8;
	[tilespmem:$0xE800] =	vst v63  }
0x83: {  	s25 =	simm.s32 $0x1;
	s22 =	simm.s32 $0x14;
	s23 =	simm.s32 $0x6970  }
0x84: {  	[tilespmem:s10], [sflag:$0x1] =	stream.indirect.gather.add.f32 [hbm:s3], $0x40, s19, s8, $0xb8;
	[tilespmem:$0xE800] =	vst v63  }
.LBB2_6:
0x85: {  	s24 =	smul.u32 $0xA, s25;
	_ =	sdelay $0x1  }
0x86: {  	v2 =	vadd.s32 s24, v0;
	_ =	sdelay $0x4  }
0x87: {  	s26 =	sadd.s32 $0xC80, s24;
	v2 =	vld.idx.msk [tilespmem:v2+s2+$0x0], $0xffff  }
0x88: {  	v3 =	vadd.s32 s26, v0;
	_ =	sdelay $0x3  }
0x89: {  	[tilespmem:s23+$0xFFFFFF90] =	vst v2  }
0x8a: {  	s29 =	sadd.s32 $0x1900, s24;
	v2 =	vld.idx.msk [tilespmem:v3+s2+$0x0], $0xffff  }
0x8b: {  	v3 =	vadd.s32 s29, v0;
	_ =	sdelay $0x3  }
0x8c: {  	[tilespmem:s23+$0xFFFFFFA0] =	vst v2  }
0x8d: {  	s30 =	sadd.s32 $0x2580, s24;
	v2 =	vld.idx.msk [tilespmem:v3+s2+$0x0], $0xffff  }
0x8e: {  	v3 =	vadd.s32 s30, v0;
	_ =	sdelay $0x3  }
0x8f: {  	[tilespmem:s23+$0xFFFFFFB0] =	vst v2  }
0x90: {  	s31 =	sadd.s32 $0x3200, s24;
	v2 =	vld.idx.msk [tilespmem:v3+s2+$0x0], $0xffff  }
0x91: {  	v3 =	vadd.s32 s31, v0;
	_ =	sdelay $0x3  }
0x92: {  	[tilespmem:s23+$0xFFFFFFC0] =	vst v2  }
0x93: {  	s29 =	sadd.s32 $0x3E80, s24;
	v2 =	vld.idx.msk [tilespmem:v3+s2+$0x0], $0xffff  }
0x94: {  	v3 =	vadd.s32 s29, v0;
	_ =	sdelay $0x3  }
0x95: {  	[tilespmem:s23+$0xFFFFFFD0] =	vst v2  }
0x96: {  	s30 =	sadd.s32 $0x4B00, s24;
	v2 =	vld.idx.msk [tilespmem:v3+s2+$0x0], $0xffff  }
0x97: {  	v3 =	vadd.s32 s30, v0;
	_ =	sdelay $0x3  }
0x98: {  	[tilespmem:s23+$0xFFFFFFE0] =	vst v2  }
0x99: {  	s26 =	sadd.s32 $0x1, s24;
	s31 =	sadd.s32 $0x5780, s24;
	v2 =	vld.idx.msk [tilespmem:v3+s2+$0x0], $0xffff  }
0x9a: {  	p0 =	sne.s32 s26, s22;
	v3 =	vadd.s32 s31, v0  }
.Ltmp3:
0x9b: {  	_ = 	snop;
	(pc) =	sbr.rel @!p0 .LBB2_8-.Ltmp3, $3  }
0x9c: {  	_ =	sdelay $0x1  }
0x9d: {  	[tilespmem:s23+$0xFFFFFFF0] =	vst v2  }
0x9e: {  	s28 =	smov.u32 s23;
	s24 =	sadd.s32 $0x1, s25;
	v2 =	vld.idx.msk [tilespmem:v3+s2+$0x0], $0xffff  }
.LBB2_7:
0x9f: {  	v3 =	vadd.s32 s26, v0;
	s29 =	smov.u32 s26;
	s26 =	sadd.s32 $0x1, s26  }
0xa0: {  	p0 =	sne.s32 s26, s22;
	_ =	sdelay $0x2  }
0xa1: {  	[tilespmem:s28+$0x0] =	vst v2  }
0xa2: {  	v2 =	vld.idx.msk [tilespmem:v3+s2+$0x0], $0xffff  }
0xa3: {  	s30 =	sadd.s32 $0xC80, s29  }
0xa4: {  	v3 =	vadd.s32 s30, v0;
	_ =	sdelay $0x2  }
0xa5: {  	s28 =	sadd.s32 $0x80, s28  }
0xa6: {  	[tilespmem:s28+$0xFFFFFF90] =	vst v2  }
0xa7: {  	v2 =	vld.idx.msk [tilespmem:v3+s2+$0x0], $0xffff  }
0xa8: {  	s30 =	sadd.s32 $0x1900, s29  }
0xa9: {  	v3 =	vadd.s32 s30, v0;
	_ =	sdelay $0x3  }
0xaa: {  	[tilespmem:s28+$0xFFFFFFA0] =	vst v2  }
0xab: {  	v2 =	vld.idx.msk [tilespmem:v3+s2+$0x0], $0xffff  }
0xac: {  	s30 =	sadd.s32 $0x2580, s29  }
0xad: {  	v3 =	vadd.s32 s30, v0;
	_ =	sdelay $0x3  }
0xae: {  	[tilespmem:s28+$0xFFFFFFB0] =	vst v2  }
0xaf: {  	v2 =	vld.idx.msk [tilespmem:v3+s2+$0x0], $0xffff  }
0xb0: {  	s30 =	sadd.s32 $0x3200, s29  }
0xb1: {  	v3 =	vadd.s32 s30, v0;
	_ =	sdelay $0x3  }
0xb2: {  	[tilespmem:s28+$0xFFFFFFC0] =	vst v2  }
0xb3: {  	v2 =	vld.idx.msk [tilespmem:v3+s2+$0x0], $0xffff  }
0xb4: {  	s30 =	sadd.s32 $0x3E80, s29  }
0xb5: {  	v3 =	vadd.s32 s30, v0;
	_ =	sdelay $0x3  }
0xb6: {  	[tilespmem:s28+$0xFFFFFFD0] =	vst v2  }
0xb7: {  	v2 =	vld.idx.msk [tilespmem:v3+s2+$0x0], $0xffff  }
0xb8: {  	s30 =	sadd.s32 $0x4B00, s29  }
0xb9: {  	v3 =	vadd.s32 s30, v0;
	_ =	sdelay $0x3  }
0xba: {  	[tilespmem:s28+$0xFFFFFFE0] =	vst v2  }
0xbb: {  	v2 =	vld.idx.msk [tilespmem:v3+s2+$0x0], $0xffff  }
0xbc: {  	s29 =	sadd.s32 $0x5780, s29  }
0xbd: {  	v3 =	vadd.s32 s29, v0  }
.Ltmp4:
0xbe: {  	(pc) =	sbr.rel @p0 .LBB2_7-.Ltmp4, $3  }
0xbf: {  	_ =	sdelay $0x1  }
0xc0: {  	[tilespmem:s28+$0xFFFFFFF0] =	vst v2  }
0xc1: {  	v2 =	vld.idx.msk [tilespmem:v3+s2+$0x0], $0xffff  }
.LBB2_8:
0xc2: {  	_ = 	snop  }
0xc3: {  	s25 =	smul.u32 $0x1400, s25;
	_ =	sdelay $0x1  }
0xc4: {  	s25 =	sshra.s32 s25, $0x2  }
0xc5: {  	s26 =	sadd.s32 $0x6400, s25;
	[tilespmem:s28+$0x0] =	vst v2  }
0xc6: {  	[tilespmem:s10], [sflag:$0x1] =	stream.indirect.gather.add.f32 [hbm:s3], $0x40, s26, s8, $0xb8;
	[tilespmem:$0xE800] =	vst v63  }
0xc7: {  	s28 =	sadd.s32 $0x6480, s25  }
0xc8: {  	[tilespmem:s10], [sflag:$0x1] =	stream.indirect.gather.add.f32 [hbm:s3], $0x40, s28, s8, $0xb8;
	[tilespmem:$0xE800] =	vst v63  }
0xc9: {  	s29 =	sadd.s32 $0x6500, s25  }
0xca: {  	[tilespmem:s10], [sflag:$0x1] =	stream.indirect.gather.add.f32 [hbm:s3], $0x40, s29, s8, $0xb8;
	[tilespmem:$0xE800] =	vst v63  }
0xcb: {  	s30 =	sadd.s32 $0x6580, s25  }
0xcc: {  	[tilespmem:s10], [sflag:$0x1] =	stream.indirect.gather.add.f32 [hbm:s3], $0x40, s30, s8, $0xb8;
	[tilespmem:$0xE800] =	vst v63  }
0xcd: {  	s31 =	sadd.s32 $0x6600, s25  }
0xce: {  	[tilespmem:s10], [sflag:$0x1] =	stream.indirect.gather.add.f32 [hbm:s3], $0x40, s31, s8, $0xb8;
	[tilespmem:$0xE800] =	vst v63  }
0xcf: {  	s28 =	sadd.s32 $0x6680, s25  }
0xd0: {  	[tilespmem:s10], [sflag:$0x1] =	stream.indirect.gather.add.f32 [hbm:s3], $0x40, s28, s8, $0xb8;
	[tilespmem:$0xE800] =	vst v63  }
0xd1: {  	s29 =	sadd.s32 $0x6700, s25  }
0xd2: {  	[tilespmem:s10], [sflag:$0x1] =	stream.indirect.gather.add.f32 [hbm:s3], $0x40, s29, s8, $0xb8;
	[tilespmem:$0xE800] =	vst v63  }
0xd3: {  	s30 =	sadd.s32 $0x6780, s25  }
0xd4: {  	[tilespmem:s10], [sflag:$0x1] =	stream.indirect.gather.add.f32 [hbm:s3], $0x40, s30, s8, $0xb8;
	[tilespmem:$0xE800] =	vst v63  }
0xd5: {  	s31 =	sadd.s32 $0x6800, s25  }
0xd6: {  	[tilespmem:s10], [sflag:$0x1] =	stream.indirect.gather.add.f32 [hbm:s3], $0x40, s31, s8, $0xb8;
	[tilespmem:$0xE800] =	vst v63  }
0xd7: {  	s25 =	sadd.s32 $0x6880, s25  }
0xd8: {  	[tilespmem:s10], [sflag:$0x1] =	stream.indirect.gather.add.f32 [hbm:s3], $0x40, s25, s8, $0xb8;
	[tilespmem:$0xE800] =	vst v63  }
0xd9: {  	_ =	swait.ge [sflag:s20], $0x2000  }
0xda: {  	[sflag:s20] =	ssyncset.done $0x0  }
0xdb: {  	[sflag:s20] =	ssyncadd.s32 $0xFFFFE000  }
0xdc: {  	_ =	swait.ge [sflag:s20], $0x2000  }
0xdd: {  	[sflag:s20] =	ssyncset.done $0x0  }
0xde: {  	[sflag:s20] =	ssyncadd.s32 $0xFFFFE000  }
0xdf: {  	_ =	swait.ge [sflag:s20], $0x2000  }
0xe0: {  	[sflag:s20] =	ssyncset.done $0x0  }
0xe1: {  	[sflag:s20] =	ssyncadd.s32 $0xFFFFE000  }
0xe2: {  	_ =	swait.ge [sflag:s20], $0x2000  }
0xe3: {  	[sflag:s20] =	ssyncset.done $0x0  }
0xe4: {  	[sflag:s20] =	ssyncadd.s32 $0xFFFFE000  }
0xe5: {  	_ =	swait.ge [sflag:s20], $0x2000  }
0xe6: {  	[sflag:s20] =	ssyncset.done $0x0  }
0xe7: {  	[sflag:s20] =	ssyncadd.s32 $0xFFFFE000  }
0xe8: {  	_ =	swait.ge [sflag:s20], $0x2000  }
0xe9: {  	[sflag:s20] =	ssyncset.done $0x0  }
0xea: {  	[sflag:s20] =	ssyncadd.s32 $0xFFFFE000  }
0xeb: {  	_ =	swait.ge [sflag:s20], $0x2000  }
0xec: {  	[sflag:s20] =	ssyncset.done $0x0  }
0xed: {  	[sflag:s20] =	ssyncadd.s32 $0xFFFFE000  }
0xee: {  	_ =	swait.ge [sflag:s20], $0x2000  }
0xef: {  	[sflag:s20] =	ssyncset.done $0x0  }
0xf0: {  	[sflag:s20] =	ssyncadd.s32 $0xFFFFE000  }
0xf1: {  	p0 =	sne.s32 s24, $0x14;
	_ =	swait.ge [sflag:s20], $0x2000  }
.Ltmp5:
0xf2: {  	[sflag:s20] =	ssyncset.done $0x0;
	(pc) =	sbr.rel @p0 .LBB2_6-.Ltmp5, $4  }
0xf3: {  	[sflag:s20] =	ssyncadd.s32 $0xFFFFE000  }
0xf4: {  	_ =	swait.ge [sflag:s20], $0x2000  }
0xf5: {  	s22 =	sadd.s32 $0xA, s22;
	[sflag:s20] =	ssyncset.done $0x0  }
0xf6: {  	s23 =	sadd.s32 $0x500, s23;
	s25 =	smov.u32 s24;
	[sflag:s20] =	ssyncadd.s32 $0xFFFFE000  }
0xf7: {  	_ =	swait.ge [sflag:s20], $0x2000  }
0xf8: {  	[sflag:s20] =	ssyncset.done $0x0  }
0xf9: {  	[sflag:s20] =	ssyncadd.s32 $0xFFFFE000  }
0xfa: {  	_ =	swait.ge [sflag:s20], $0x2000  }
0xfb: {  	[sflag:s20] =	ssyncset.done $0x0  }
0xfc: {  	[sflag:s20] =	ssyncadd.s32 $0xFFFFE000  }
0xfd: {  	_ =	swait.ge [sflag:s20], $0x2000  }
0xfe: {  	[sflag:s20] =	ssyncset.done $0x0  }
0xff: {  	[sflag:s20] =	ssyncadd.s32 $0xFFFFE000  }
0x100: {  	_ =	swait.ge [sflag:s20], $0x2000  }
0x101: {  	[sflag:s20] =	ssyncset.done $0x0  }
0x102: {  	[sflag:s20] =	ssyncadd.s32 $0xFFFFE000  }
0x103: {  	_ =	swait.ge [sflag:s20], $0x2000  }
0x104: {  	[sflag:s20] =	ssyncset.done $0x0  }
0x105: {  	[sflag:s20] =	ssyncadd.s32 $0xFFFFE000  }
0x106: {  	_ =	swait.ge [sflag:s20], $0x2000  }
0x107: {  	[sflag:s20] =	ssyncset.done $0x0  }
0x108: {  	[sflag:s20] =	ssyncadd.s32 $0xFFFFE000  }
0x109: {  	_ =	swait.ge [sflag:s20], $0x2000  }
0x10a: {  	[sflag:s20] =	ssyncset.done $0x0  }
0x10b: {  	[sflag:s20] =	ssyncadd.s32 $0xFFFFE000  }
0x10c: {  	_ =	swait.ge [sflag:s20], $0x2000  }
0x10d: {  	[sflag:s20] =	ssyncset.done $0x0  }
0x10e: {  	[sflag:s20] =	ssyncadd.s32 $0xFFFFE000  }
0x10f: {  	_ =	swait.ge [sflag:s20], $0x2000  }
0x110: {  	[sflag:s20] =	ssyncset.done $0x0  }
0x111: {  	[sflag:s20] =	ssyncadd.s32 $0xFFFFE000  }
0x112: {  	s21 =	sadd.s32 $0x1, s21;
	_ =	swait.ge [sflag:s20], $0x2000  }
0x113: {  	p0 =	sne.s32 s21, s6;
	[sflag:s20] =	ssyncset.done $0x0  }
.Ltmp6:
0x114: {  	[sflag:s20] =	ssyncadd.s32 $0xFFFFE000;
	(pc) =	sbr.rel @p0 .LBB2_1-.Ltmp6, $4  }
0x115: {  	[hbm4b:s5+s2] =	stream.linear.scatter [tilespmem:s10], [sflag:$0x2], $0x2000, $0x38;
	[tilespmem:$0xE800] =	vst v63  }
0x116: {  	_ =	swait.ge [sflag:s7], $0x2000  }
0x117: {  	[sflag:s7] =	ssyncset.done $0x0  }
0x118: {  	[sflag:s7] =	ssyncadd.s32 $0xFFFFE000  }
0x119: {  	_ =	sfence.sel $0x180000  }
0x11a: {  	[bflag:$0x0] =	sbarrier.arrive $0xFFFF  }
0x11b: {  	p0 =	sne.s32 s0, $0x0;
	_ =	strace $0x90000047  }
0x11c: {  	s0 =	sadd.s32 @!p0 $0x100000, s1;
	[bflag:$0x2] =	sbarrier.arrive $0xFFFF  }
0x11d: {  	[sflag:s0] =	ssyncadd.tile.s32 @!p0 $0x1;
	_ =	shalt  }
.Lfunc_end2:
_tile_overlayer_lowered:
.L_overlay_start_2:
0x11e: {  	(tag) =	ssettag $0x2  }
0x11f: {  	s0 =	rddreg [dreg:$0x0];
	s2 =	stileid.u32  }
0x120: {  	s1 =	rddreg [dreg:$0x1];
	p0 =	sne.s32 s2, $0x0  }
0x121: {  	s3 =	rddreg [dreg:$0x2];
	[bflag:$0x3] =	sbarrier.arrive $0xFFFF;
	s2 =	simm.s32 @!p0 $0x1C02  }
0x122: {  	[timem:s3], [sflag:s2] =	dma.local @!p0 [hbm:s0], s1  }
0x123: {  	s0 =	simm.s32 @!p0 $0x2  }
0x124: {  	_ =	swait.ge @!p0 [sflag:s0], s1  }
0x125: {  	s1 =	ssub.s32 @!p0 $0x0, s1;
	[sflag:s0] =	ssyncset.done @!p0 $0x0  }
0x126: {  	[sflag:s0] =	ssyncadd.s32 @!p0 s1  }
0x127: {  	[bflag:$0x3] =	sbarrier.arrive $0xFFFF  }
0x128: {  	_ =	shalt  }

</sc_bundles>
